<compile_context>
chip_gen: v7x
topology: tpu7x:2x2x1
jax: 0.10.2.dev20260603
libtpu: 0.0.44.dev20260713+nightly
codegen_flags: <defaults>
</compile_context>

<pallas_src>
import functools

import jax
import jax.numpy as jnp
from jax import lax
from jax.experimental import pallas as pl
from jax.experimental.pallas import tpu as pltpu
from jax.experimental.pallas import tpu_sc as plsc

NUM_TABLES = 26
VOCAB = 100000
DIM = 32
BATCH = 4096

NC = 2
NS = 16
L = 16
HALF = VOCAB // 2
NVEC = BATCH // L

_MESH = plsc.VectorSubcoreMesh(
    core_axis_name="c", subcore_axis_name="s", num_cores=NC, num_subcores=NS
)


def _make_emb_kernel(t_chunk):
    @functools.partial(
        pl.kernel,
        out_type=jax.ShapeDtypeStruct((t_chunk, DIM, BATCH), jnp.float32),
        mesh=_MESH,
        scratch_types=[
            pltpu.VMEM((2, HALF), jnp.float32),
            pltpu.VMEM((2, BATCH), jnp.int32),
            pltpu.VMEM((2, BATCH), jnp.float32),
            pltpu.SemaphoreType.DMA,
            pltpu.SemaphoreType.DMA,
            pltpu.SemaphoreType.DMA,
            pltpu.SemaphoreType.DMA,
            pltpu.SemaphoreType.DMA,
        ],
        compiler_params=pltpu.CompilerParams(
            use_tc_tiling_on_sc=False, needs_layout_passes=False
        ),
    )
    def _emb_kernel(tab, idx, out, rowbuf, idxbuf, outbuf, ssem0, ssem1, isem,
                    osem0, osem1):
        d = lax.axis_index("s") * NC + lax.axis_index("c")
        ssems = (ssem0, ssem1)
        osems = (osem0, osem1)

        def stage_copy(k, h):
            return pltpu.make_async_copy(
                tab.at[k, d, pl.ds(h * HALF, HALF)], rowbuf.at[h], ssems[h]
            )

        def idx_copy(k, slot):
            return pltpu.make_async_copy(idx.at[k], idxbuf.at[slot], isem)

        def out_copy(k, slot):
            return pltpu.make_async_copy(
                outbuf.at[slot], out.at[k, d], osems[slot]
            )

        def gather_half(kslot, half, merge):
            base = half * HALF

            def body(i, c):
                sl = pl.ds(i * L, L)
                iv = idxbuf[kslot, sl]
                pos = iv - base
                if half == 0:
                    m = iv < HALF
                else:
                    m = iv >= HALF
                g = plsc.load_gather(rowbuf.at[half], [pos], mask=m)
                if merge:
                    outbuf[kslot, sl] = jnp.where(m, g, outbuf[kslot, sl])
                else:
                    outbuf[kslot, sl] = g
                return c

            lax.fori_loop(0, NVEC, body, 0, unroll=8)

        def process_table(k, kslot):
            stage_copy(k, 1).start()
            idx_copy(k, kslot).wait()

            @pl.when(k + 1 < t_chunk)
            def _():
                idx_copy(k + 1, 1 - kslot).start()

            @pl.when(k >= 2)
            def _():
                out_copy(k - 2, kslot).wait()

            stage_copy(k, 0).wait()
            gather_half(kslot, 0, merge=False)

            @pl.when(k + 1 < t_chunk)
            def _():
                stage_copy(k + 1, 0).start()

            stage_copy(k, 1).wait()
            gather_half(kslot, 1, merge=True)

            out_copy(k, kslot).start()

        idx_copy(0, 0).start()
        stage_copy(0, 0).start()

        def table_pair(j, c):
            process_table(2 * j, 0)
            process_table(2 * j + 1, 1)
            return c

        lax.fori_loop(0, t_chunk // 2, table_pair, 0)
        if t_chunk % 2:
            process_table(jnp.int32(t_chunk - 1), (t_chunk - 1) % 2)

        out_copy(t_chunk - 2, (t_chunk - 2) % 2).wait()
        out_copy(t_chunk - 1, (t_chunk - 1) % 2).wait()

    return _emb_kernel


_EMB_KERNEL = _make_emb_kernel(NUM_TABLES)


def kernel(tables, indices):
    t3 = tables.transpose(0, 2, 1)
    idx_t = indices.T
    out = _EMB_KERNEL(t3, idx_t)
    return out.transpose(2, 0, 1)

# --- scband reference (transcript-rebuilt; emitter-appended) ---
"""Pipeline reference for scband-sharded-embedding-table-59227599012656 (READ-ONLY COPY).

The authoritative reference and input builder live on the scoring server;
editing this copy changes nothing except your own understanding.
"""

import jax, jax.numpy as jnp
import numpy as np

NUM_TABLES = 26
VOCAB = 100000
DIM = 32
BATCH = 4096


def setup_inputs(seed: int = 0) -> dict:
    key = jax.random.key(seed)
    k1, k2 = jax.random.split(key)
    # 26 embedding tables, each [VOCAB, DIM] (stacked), as in the sharded EmbeddingBagCollection
    tables = jax.random.normal(k1, (NUM_TABLES, VOCAB, DIM), dtype=jnp.float32) * 0.01
    # one index per table per sample (KeyedJaggedTensor with one id per feature)
    indices = jax.random.randint(k2, (BATCH, NUM_TABLES), 0, VOCAB, dtype=jnp.int32)
    return {"tables": tables, "indices": indices}


def reference(tables, indices):
    # sharded_emts(sparse_input): per-table embedding lookup -> dict of [B, DIM]
    # vmap over tables: tables[t][indices[:, t]] for each t -> [B, NUM_TABLES, DIM]
    gathered = jax.vmap(lambda tbl, idx: jnp.take(tbl, idx, axis=0), in_axes=(0, 1), out_axes=1)(tables, indices)
    # torch.cat(sparse_values, dim=1).reshape(batch_size, len(table_names), dim)
    sparse_values = [gathered[:, t, :] for t in range(NUM_TABLES)]
    result = jnp.concatenate(sparse_values, axis=1).reshape(BATCH, NUM_TABLES, DIM)
    # signal_layer is nn.Identity()
    return result

if __name__ == "__main__":
    import jax
    _d = setup_inputs()
    print(jax.jit(kernel)(*tuple(_d.values())))

</pallas_src>

<mosaic_0001>
#map = affine_map<(d0, d1) -> (0, 0, 0)>
#map1 = affine_map<(d0, d1) -> (0, 0)>
module attributes {stable_mosaic.version = 14 : i64} {
  func.func @_emb_kernel(%arg0: i32, %arg1: i32, %arg2: memref<26x32x100000xf32, #tpu.memory_space<hbm>>, %arg3: memref<26x4096xi32, #tpu.memory_space<hbm>>, %arg4: memref<26x32x4096xf32, #tpu.memory_space<hbm>>, %arg5: memref<2x50000xf32, #tpu.memory_space<vmem>>, %arg6: memref<2x4096xi32, #tpu.memory_space<vmem>>, %arg7: memref<2x4096xf32, #tpu.memory_space<vmem>>, %arg8: memref<!tpu.dma_semaphore, #tpu.memory_space<semaphore_mem>>, %arg9: memref<!tpu.dma_semaphore, #tpu.memory_space<semaphore_mem>>, %arg10: memref<!tpu.dma_semaphore, #tpu.memory_space<semaphore_mem>>, %arg11: memref<!tpu.dma_semaphore, #tpu.memory_space<semaphore_mem>>, %arg12: memref<!tpu.dma_semaphore, #tpu.memory_space<semaphore_mem>>) attributes {dimension_semantics = [#tpu.dimension_semantics<core_parallel>, #tpu.dimension_semantics<subcore_parallel>], iteration_bounds = array<i64: 2, 16>, scalar_prefetch = 0 : i64, scratch_operands = 8 : i64, tpu.core_type = #tpu.core_type<sc_vector_subcore>, window_params = [{transform_indices = #map}, {transform_indices = #map1}, {transform_indices = #map}]} {
    %mul3A = arith.constant 2 : i32
    %mul3A_0 = arith.muli %arg1, %mul3A : i32
    %add3A = arith.addi %mul3A_0, %arg0 : i32
    %dma_start3A = arith.constant 0 : i32
    %dma_start3A_1 = arith.constant 0 : i32
    %dma_start3A_2 = arith.constant 0 : i32
    %dma_start3A_3 = tpu.memref_slice %arg6[%dma_start3A_1, %dma_start3A_2] : memref<2x4096xi32, #tpu.memory_space<vmem>> -> memref<1x4096xi32, #tpu.memory_space<vmem>>
    %dma_start3A_4 = tpu.memref_squeeze %dma_start3A_3 : memref<1x4096xi32, #tpu.memory_space<vmem>> -> memref<4096xi32, #tpu.memory_space<vmem>>
    %dma_start3A_5 = arith.constant 0 : i32
    %dma_start3A_6 = tpu.memref_slice %arg3[%dma_start3A, %dma_start3A_5] : memref<26x4096xi32, #tpu.memory_space<hbm>> -> memref<1x4096xi32, #tpu.memory_space<hbm>>
    %dma_start3A_7 = tpu.memref_squeeze %dma_start3A_6 : memref<1x4096xi32, #tpu.memory_space<hbm>> -> memref<4096xi32, #tpu.memory_space<hbm>>
    %dma_start3A_8 = arith.constant 0 : i32
    %dma_start3A_9 = tpu.memref_slice %arg6[%dma_start3A_1, %dma_start3A_8] : memref<2x4096xi32, #tpu.memory_space<vmem>> -> memref<1x4096xi32, #tpu.memory_space<vmem>>
    %dma_start3A_10 = tpu.memref_squeeze %dma_start3A_9 : memref<1x4096xi32, #tpu.memory_space<vmem>> -> memref<4096xi32, #tpu.memory_space<vmem>>
    %dma_start3A_11 = arith.constant 0 : i32
    %dma_start3A_12 = tpu.memref_slice %arg3[%dma_start3A, %dma_start3A_11] : memref<26x4096xi32, #tpu.memory_space<hbm>> -> memref<1x4096xi32, #tpu.memory_space<hbm>>
    %dma_start3A_13 = tpu.memref_squeeze %dma_start3A_12 : memref<1x4096xi32, #tpu.memory_space<hbm>> -> memref<4096xi32, #tpu.memory_space<hbm>>
    tpu.enqueue_dma source(%dma_start3A_13 : memref<4096xi32, #tpu.memory_space<hbm>>) target(%dma_start3A_10 : memref<4096xi32, #tpu.memory_space<vmem>>) target_semaphore(%arg10 : memref<!tpu.dma_semaphore, #tpu.memory_space<semaphore_mem>>)
    %dma_start3A_14 = arith.constant 0 : i32
    %dma_start3A_15 = arith.constant 0 : i32
    %dma_start3A_16 = arith.constant 0 : i32
    %dma_start3A_17 = tpu.memref_slice %arg5[%dma_start3A_15, %dma_start3A_16] : memref<2x50000xf32, #tpu.memory_space<vmem>> -> memref<1x50000xf32, #tpu.memory_space<vmem>>
    %dma_start3A_18 = tpu.memref_squeeze %dma_start3A_17 : memref<1x50000xf32, #tpu.memory_space<vmem>> -> memref<50000xf32, #tpu.memory_space<vmem>>
    %dma_start3A_19 = arith.constant 0 : i32
    %dma_start3A_20 = tpu.memref_slice %arg2[%dma_start3A_14, %add3A, %dma_start3A_19] : memref<26x32x100000xf32, #tpu.memory_space<hbm>> -> memref<1x1x50000xf32, #tpu.memory_space<hbm>>
    %dma_start3A_21 = tpu.memref_squeeze %dma_start3A_20 : memref<1x1x50000xf32, #tpu.memory_space<hbm>> -> memref<50000xf32, #tpu.memory_space<hbm>>
    %dma_start3A_22 = arith.constant 0 : i32
    %dma_start3A_23 = tpu.memref_slice %arg5[%dma_start3A_15, %dma_start3A_22] : memref<2x50000xf32, #tpu.memory_space<vmem>> -> memref<1x50000xf32, #tpu.memory_space<vmem>>
    %dma_start3A_24 = tpu.memref_squeeze %dma_start3A_23 : memref<1x50000xf32, #tpu.memory_space<vmem>> -> memref<50000xf32, #tpu.memory_space<vmem>>
    %dma_start3A_25 = arith.constant 0 : i32
    %dma_start3A_26 = tpu.memref_slice %arg2[%dma_start3A_14, %add3A, %dma_start3A_25] : memref<26x32x100000xf32, #tpu.memory_space<hbm>> -> memref<1x1x50000xf32, #tpu.memory_space<hbm>>
    %dma_start3A_27 = tpu.memref_squeeze %dma_start3A_26 : memref<1x1x50000xf32, #tpu.memory_space<hbm>> -> memref<50000xf32, #tpu.memory_space<hbm>>
    tpu.enqueue_dma source(%dma_start3A_27 : memref<50000xf32, #tpu.memory_space<hbm>>) target(%dma_start3A_24 : memref<50000xf32, #tpu.memory_space<vmem>>) target_semaphore(%arg8 : memref<!tpu.dma_semaphore, #tpu.memory_space<semaphore_mem>>)
    %scan3A = arith.constant 0 : i32
    %scan3A_28 = arith.constant 0 : i32
    %scan3A_29 = arith.constant 13 : i32
    %scan3A_30 = arith.addi %scan3A_28, %scan3A_29 : i32
    %scan3A_31 = arith.constant 1 : i32
    scf.for %scan3A_60 = %scan3A_28 to %scan3A_30 step %scan3A_31  : i32 {
      %mul3A_61 = arith.constant 2 : i32
      %mul3A_62 = arith.muli %mul3A_61, %scan3A_60 : i32
      %dma_start3A_63 = arith.constant 1 : i32
      %dma_start3A_64 = arith.constant 0 : i32
      %dma_start3A_65 = tpu.memref_slice %arg5[%dma_start3A_63, %dma_start3A_64] : memref<2x50000xf32, #tpu.memory_space<vmem>> -> memref<1x50000xf32, #tpu.memory_space<vmem>>
      %dma_start3A_66 = tpu.memref_squeeze %dma_start3A_65 : memref<1x50000xf32, #tpu.memory_space<vmem>> -> memref<50000xf32, #tpu.memory_space<vmem>>
      %dma_start3A_67 = arith.constant 50000 : i32
      %dma_start3A_68 = tpu.memref_slice %arg2[%mul3A_62, %add3A, %dma_start3A_67] : memref<26x32x100000xf32, #tpu.memory_space<hbm>> -> memref<1x1x50000xf32, #tpu.memory_space<hbm>>
      %dma_start3A_69 = tpu.memref_squeeze %dma_start3A_68 : memref<1x1x50000xf32, #tpu.memory_space<hbm>> -> memref<50000xf32, #tpu.memory_space<hbm>>
      %dma_start3A_70 = arith.constant 0 : i32
      %dma_start3A_71 = tpu.memref_slice %arg5[%dma_start3A_63, %dma_start3A_70] : memref<2x50000xf32, #tpu.memory_space<vmem>> -> memref<1x50000xf32, #tpu.memory_space<vmem>>
      %dma_start3A_72 = tpu.memref_squeeze %dma_start3A_71 : memref<1x50000xf32, #tpu.memory_space<vmem>> -> memref<50000xf32, #tpu.memory_space<vmem>>
      %dma_start3A_73 = arith.constant 50000 : i32
      %dma_start3A_74 = tpu.memref_slice %arg2[%mul3A_62, %add3A, %dma_start3A_73] : memref<26x32x100000xf32, #tpu.memory_space<hbm>> -> memref<1x1x50000xf32, #tpu.memory_space<hbm>>
      %dma_start3A_75 = tpu.memref_squeeze %dma_start3A_74 : memref<1x1x50000xf32, #tpu.memory_space<hbm>> -> memref<50000xf32, #tpu.memory_space<hbm>>
      tpu.enqueue_dma source(%dma_start3A_75 : memref<50000xf32, #tpu.memory_space<hbm>>) target(%dma_start3A_72 : memref<50000xf32, #tpu.memory_space<vmem>>) target_semaphore(%arg9 : memref<!tpu.dma_semaphore, #tpu.memory_space<semaphore_mem>>)
      %dma_wait3A_76 = arith.constant 0 : i32
      %dma_wait3A_77 = arith.constant 0 : i32
      %dma_wait3A_78 = tpu.memref_slice %arg6[%dma_wait3A_76, %dma_wait3A_77] : memref<2x4096xi32, #tpu.memory_space<vmem>> -> memref<1x4096xi32, #tpu.memory_space<vmem>>
      %dma_wait3A_79 = tpu.memref_squeeze %dma_wait3A_78 : memref<1x4096xi32, #tpu.memory_space<vmem>> -> memref<4096xi32, #tpu.memory_space<vmem>>
      %dma_wait3A_80 = arith.constant 0 : i32
      %dma_wait3A_81 = tpu.memref_slice %arg3[%mul3A_62, %dma_wait3A_80] : memref<26x4096xi32, #tpu.memory_space<hbm>> -> memref<1x4096xi32, #tpu.memory_space<hbm>>
      %dma_wait3A_82 = tpu.memref_squeeze %dma_wait3A_81 : memref<1x4096xi32, #tpu.memory_space<hbm>> -> memref<4096xi32, #tpu.memory_space<hbm>>
      %dma_wait3A_83 = arith.constant 0 : i32
      %dma_wait3A_84 = tpu.memref_slice %arg6[%dma_wait3A_76, %dma_wait3A_83] : memref<2x4096xi32, #tpu.memory_space<vmem>> -> memref<1x4096xi32, #tpu.memory_space<vmem>>
      %dma_wait3A_85 = tpu.memref_squeeze %dma_wait3A_84 : memref<1x4096xi32, #tpu.memory_space<vmem>> -> memref<4096xi32, #tpu.memory_space<vmem>>
      %dma_wait3A_86 = arith.constant 0 : i32
      %dma_wait3A_87 = tpu.memref_slice %arg3[%mul3A_62, %dma_wait3A_86] : memref<26x4096xi32, #tpu.memory_space<hbm>> -> memref<1x4096xi32, #tpu.memory_space<hbm>>
      %dma_wait3A_88 = tpu.memref_squeeze %dma_wait3A_87 : memref<1x4096xi32, #tpu.memory_space<hbm>> -> memref<4096xi32, #tpu.memory_space<hbm>>
      tpu.wait_dma2 semaphore(%arg10 : memref<!tpu.dma_semaphore, #tpu.memory_space<semaphore_mem>>) src(%dma_wait3A_88 : memref<4096xi32, #tpu.memory_space<hbm>>) dst(%dma_wait3A_85 : memref<4096xi32, #tpu.memory_space<vmem>>)
      %add3A_89 = arith.constant 1 : i32
      %add3A_90 = arith.addi %mul3A_62, %add3A_89 : i32
      %lt3A = arith.constant 26 : i32
      %lt3A_91 = arith.cmpi slt, %add3A_90, %lt3A : i32
      %convert_element_type3A = arith.extui %lt3A_91 : i1 to i32
      %cond3A = arith.constant 0 : i32
      %cond3A_92 = arith.cmpi ne, %convert_element_type3A, %cond3A : i32
      scf.if %cond3A_92 {
        %add3A_255 = arith.constant 1 : i32
        %add3A_256 = arith.addi %mul3A_62, %add3A_255 : i32
        %dma_start3A_257 = arith.constant 1 : i32
        %dma_start3A_258 = arith.constant 0 : i32
        %dma_start3A_259 = tpu.memref_slice %arg6[%dma_start3A_257, %dma_start3A_258] : memref<2x4096xi32, #tpu.memory_space<vmem>> -> memref<1x4096xi32, #tpu.memory_space<vmem>>
        %dma_start3A_260 = tpu.memref_squeeze %dma_start3A_259 : memref<1x4096xi32, #tpu.memory_space<vmem>> -> memref<4096xi32, #tpu.memory_space<vmem>>
        %dma_start3A_261 = arith.constant 0 : i32
        %dma_start3A_262 = tpu.memref_slice %arg3[%add3A_256, %dma_start3A_261] : memref<26x4096xi32, #tpu.memory_space<hbm>> -> memref<1x4096xi32, #tpu.memory_space<hbm>>
        %dma_start3A_263 = tpu.memref_squeeze %dma_start3A_262 : memref<1x4096xi32, #tpu.memory_space<hbm>> -> memref<4096xi32, #tpu.memory_space<hbm>>
        %dma_start3A_264 = arith.constant 0 : i32
        %dma_start3A_265 = tpu.memref_slice %arg6[%dma_start3A_257, %dma_start3A_264] : memref<2x4096xi32, #tpu.memory_space<vmem>> -> memref<1x4096xi32, #tpu.memory_space<vmem>>
        %dma_start3A_266 = tpu.memref_squeeze %dma_start3A_265 : memref<1x4096xi32, #tpu.memory_space<vmem>> -> memref<4096xi32, #tpu.memory_space<vmem>>
        %dma_start3A_267 = arith.constant 0 : i32
        %dma_start3A_268 = tpu.memref_slice %arg3[%add3A_256, %dma_start3A_267] : memref<26x4096xi32, #tpu.memory_space<hbm>> -> memref<1x4096xi32, #tpu.memory_space<hbm>>
        %dma_start3A_269 = tpu.memref_squeeze %dma_start3A_268 : memref<1x4096xi32, #tpu.memory_space<hbm>> -> memref<4096xi32, #tpu.memory_space<hbm>>
        tpu.enqueue_dma source(%dma_start3A_269 : memref<4096xi32, #tpu.memory_space<hbm>>) target(%dma_start3A_266 : memref<4096xi32, #tpu.memory_space<vmem>>) target_semaphore(%arg10 : memref<!tpu.dma_semaphore, #tpu.memory_space<semaphore_mem>>)
      } else {
      }
      %ge3A = arith.constant 2 : i32
      %ge3A_93 = arith.cmpi sge, %mul3A_62, %ge3A : i32
      %convert_element_type3A_94 = arith.extui %ge3A_93 : i1 to i32
      %cond3A_95 = arith.constant 0 : i32
      %cond3A_96 = arith.cmpi ne, %convert_element_type3A_94, %cond3A_95 : i32
      scf.if %cond3A_96 {
        %sub3A = arith.constant 2 : i32
        %sub3A_255 = arith.subi %mul3A_62, %sub3A : i32
        %dma_wait3A_256 = arith.constant 0 : i32
        %dma_wait3A_257 = arith.constant 0 : i32
        %dma_wait3A_258 = tpu.memref_slice %arg7[%dma_wait3A_256, %dma_wait3A_257] : memref<2x4096xf32, #tpu.memory_space<vmem>> -> memref<1x4096xf32, #tpu.memory_space<vmem>>
        %dma_wait3A_259 = tpu.memref_squeeze %dma_wait3A_258 : memref<1x4096xf32, #tpu.memory_space<vmem>> -> memref<4096xf32, #tpu.memory_space<vmem>>
        %dma_wait3A_260 = arith.constant 0 : i32
        %dma_wait3A_261 = tpu.memref_slice %arg4[%sub3A_255, %add3A, %dma_wait3A_260] : memref<26x32x4096xf32, #tpu.memory_space<hbm>> -> memref<1x1x4096xf32, #tpu.memory_space<hbm>>
        %dma_wait3A_262 = tpu.memref_squeeze %dma_wait3A_261 : memref<1x1x4096xf32, #tpu.memory_space<hbm>> -> memref<4096xf32, #tpu.memory_space<hbm>>
        %dma_wait3A_263 = arith.constant 0 : i32
        %dma_wait3A_264 = tpu.memref_slice %arg4[%sub3A_255, %add3A, %dma_wait3A_263] : memref<26x32x4096xf32, #tpu.memory_space<hbm>> -> memref<1x1x4096xf32, #tpu.memory_space<hbm>>
        %dma_wait3A_265 = tpu.memref_squeeze %dma_wait3A_264 : memref<1x1x4096xf32, #tpu.memory_space<hbm>> -> memref<4096xf32, #tpu.memory_space<hbm>>
        %dma_wait3A_266 = arith.constant 0 : i32
        %dma_wait3A_267 = tpu.memref_slice %arg7[%dma_wait3A_256, %dma_wait3A_266] : memref<2x4096xf32, #tpu.memory_space<vmem>> -> memref<1x4096xf32, #tpu.memory_space<vmem>>
        %dma_wait3A_268 = tpu.memref_squeeze %dma_wait3A_267 : memref<1x4096xf32, #tpu.memory_space<vmem>> -> memref<4096xf32, #tpu.memory_space<vmem>>
        tpu.wait_dma2 semaphore(%arg11 : memref<!tpu.dma_semaphore, #tpu.memory_space<semaphore_mem>>) src(%dma_wait3A_268 : memref<4096xf32, #tpu.memory_space<vmem>>) dst(%dma_wait3A_265 : memref<4096xf32, #tpu.memory_space<hbm>>)
      } else {
      }
      %dma_wait3A_97 = arith.constant 0 : i32
      %dma_wait3A_98 = arith.constant 0 : i32
      %dma_wait3A_99 = tpu.memref_slice %arg5[%dma_wait3A_97, %dma_wait3A_98] : memref<2x50000xf32, #tpu.memory_space<vmem>> -> memref<1x50000xf32, #tpu.memory_space<vmem>>
      %dma_wait3A_100 = tpu.memref_squeeze %dma_wait3A_99 : memref<1x50000xf32, #tpu.memory_space<vmem>> -> memref<50000xf32, #tpu.memory_space<vmem>>
      %dma_wait3A_101 = arith.constant 0 : i32
      %dma_wait3A_102 = tpu.memref_slice %arg2[%mul3A_62, %add3A, %dma_wait3A_101] : memref<26x32x100000xf32, #tpu.memory_space<hbm>> -> memref<1x1x50000xf32, #tpu.memory_space<hbm>>
      %dma_wait3A_103 = tpu.memref_squeeze %dma_wait3A_102 : memref<1x1x50000xf32, #tpu.memory_space<hbm>> -> memref<50000xf32, #tpu.memory_space<hbm>>
      %dma_wait3A_104 = arith.constant 0 : i32
      %dma_wait3A_105 = tpu.memref_slice %arg5[%dma_wait3A_97, %dma_wait3A_104] : memref<2x50000xf32, #tpu.memory_space<vmem>> -> memref<1x50000xf32, #tpu.memory_space<vmem>>
      %dma_wait3A_106 = tpu.memref_squeeze %dma_wait3A_105 : memref<1x50000xf32, #tpu.memory_space<vmem>> -> memref<50000xf32, #tpu.memory_space<vmem>>
      %dma_wait3A_107 = arith.constant 0 : i32
      %dma_wait3A_108 = tpu.memref_slice %arg2[%mul3A_62, %add3A, %dma_wait3A_107] : memref<26x32x100000xf32, #tpu.memory_space<hbm>> -> memref<1x1x50000xf32, #tpu.memory_space<hbm>>
      %dma_wait3A_109 = tpu.memref_squeeze %dma_wait3A_108 : memref<1x1x50000xf32, #tpu.memory_space<hbm>> -> memref<50000xf32, #tpu.memory_space<hbm>>
      tpu.wait_dma2 semaphore(%arg8 : memref<!tpu.dma_semaphore, #tpu.memory_space<semaphore_mem>>) src(%dma_wait3A_109 : memref<50000xf32, #tpu.memory_space<hbm>>) dst(%dma_wait3A_106 : memref<50000xf32, #tpu.memory_space<vmem>>)
      %scan3A_110 = arith.constant 0 : i32
      %scan3A_111 = arith.constant 0 : i32
      %scan3A_112 = arith.constant 256 : i32
      %scan3A_113 = arith.addi %scan3A_111, %scan3A_112 : i32
      %scan3A_114 = arith.constant 8 : i32
      scf.for %scan3A_255 = %scan3A_111 to %scan3A_113 step %scan3A_114  : i32 {
        %mul3A_256 = arith.constant 16 : i32
        %mul3A_257 = arith.muli %scan3A_255, %mul3A_256 : i32
        %get3A = arith.constant 0 : i32
        %get3A_258 = arith.index_cast %get3A : i32 to index
        %get3A_259 = arith.index_cast %mul3A_257 : i32 to index
        %get3A_260 = tpu.vector_load %arg6[%get3A_258, %get3A_259] {strides = array<i32>} : memref<2x4096xi32, #tpu.memory_space<vmem>>, vector<16xi32>,
        %sub3A = arith.constant 0 : i32
        %sub3A_261 = vector.broadcast %sub3A : i32 to vector<16xi32>
        %sub3A_262 = arith.subi %get3A_260, %sub3A_261 : vector<16xi32>
        %lt3A_263 = arith.constant 50000 : i32
        %lt3A_264 = vector.broadcast %lt3A_263 : i32 to vector<16xi32>
        %lt3A_265 = arith.cmpi slt, %get3A_260, %lt3A_264 : vector<16xi32>
        %gather3A = arith.constant 0 : i32
        %gather3A_266 = arith.constant 0 : i32
        %gather3A_267 = tpu.memref_slice %arg5[%gather3A, %gather3A_266] : memref<2x50000xf32, #tpu.memory_space<vmem>> -> memref<1x50000xf32, #tpu.memory_space<vmem>>
        %gather3A_268 = tpu.memref_squeeze %gather3A_267 : memref<1x50000xf32, #tpu.memory_space<vmem>> -> memref<50000xf32, #tpu.memory_space<vmem>>
        %gather3A_269 = tpu.vector_load_idx %gather3A_268[%sub3A_262] masked %lt3A_265 : memref<50000xf32, #tpu.memory_space<vmem>>[vector<16xi32>], vector<16xf32>, vector<16xi1>
        %swap3A = arith.constant 0 : i32
        %swap3A_270 = arith.index_cast %swap3A : i32 to index
        %swap3A_271 = arith.index_cast %mul3A_257 : i32 to index
        %swap3A_272 = tpu.vector_load %arg7[%swap3A_270, %swap3A_271] {strides = array<i32>} : memref<2x4096xf32, #tpu.memory_space<vmem>>, vector<16xf32>,
        tpu.vector_store %arg7[%swap3A_270, %swap3A_271], %gather3A_269 {strides = array<i32>} : memref<2x4096xf32, #tpu.memory_space<vmem>>, vector<16xf32>,
        %scan3A_273 = arith.constant 1 : i32
        %scan3A_274 = arith.addi %scan3A_255, %scan3A_273 : i32
        %mul3A_275 = arith.constant 16 : i32
        %mul3A_276 = arith.muli %scan3A_274, %mul3A_275 : i32
        %get3A_277 = arith.constant 0 : i32
        %get3A_278 = arith.index_cast %get3A_277 : i32 to index
        %get3A_279 = arith.index_cast %mul3A_276 : i32 to index
        %get3A_280 = tpu.vector_load %arg6[%get3A_278, %get3A_279] {strides = array<i32>} : memref<2x4096xi32, #tpu.memory_space<vmem>>, vector<16xi32>,
        %sub3A_281 = arith.constant 0 : i32
        %sub3A_282 = vector.broadcast %sub3A_281 : i32 to vector<16xi32>
        %sub3A_283 = arith.subi %get3A_280, %sub3A_282 : vector<16xi32>
        %lt3A_284 = arith.constant 50000 : i32
        %lt3A_285 = vector.broadcast %lt3A_284 : i32 to vector<16xi32>
        %lt3A_286 = arith.cmpi slt, %get3A_280, %lt3A_285 : vector<16xi32>
        %gather3A_287 = arith.constant 0 : i32
        %gather3A_288 = arith.constant 0 : i32
        %gather3A_289 = tpu.memref_slice %arg5[%gather3A_287, %gather3A_288] : memref<2x50000xf32, #tpu.memory_space<vmem>> -> memref<1x50000xf32, #tpu.memory_space<vmem>>
        %gather3A_290 = tpu.memref_squeeze %gather3A_289 : memref<1x50000xf32, #tpu.memory_space<vmem>> -> memref<50000xf32, #tpu.memory_space<vmem>>
        %gather3A_291 = tpu.vector_load_idx %gather3A_290[%sub3A_283] masked %lt3A_286 : memref<50000xf32, #tpu.memory_space<vmem>>[vector<16xi32>], vector<16xf32>, vector<16xi1>
        %swap3A_292 = arith.constant 0 : i32
        %swap3A_293 = arith.index_cast %swap3A_292 : i32 to index
        %swap3A_294 = arith.index_cast %mul3A_276 : i32 to index
        %swap3A_295 = tpu.vector_load %arg7[%swap3A_293, %swap3A_294] {strides = array<i32>} : memref<2x4096xf32, #tpu.memory_space<vmem>>, vector<16xf32>,
        tpu.vector_store %arg7[%swap3A_293, %swap3A_294], %gather3A_291 {strides = array<i32>} : memref<2x4096xf32, #tpu.memory_space<vmem>>, vector<16xf32>,
        %scan3A_296 = arith.constant 2 : i32
        %scan3A_297 = arith.addi %scan3A_255, %scan3A_296 : i32
        %mul3A_298 = arith.constant 16 : i32
        %mul3A_299 = arith.muli %scan3A_297, %mul3A_298 : i32
        %get3A_300 = arith.constant 0 : i32
        %get3A_301 = arith.index_cast %get3A_300 : i32 to index
        %get3A_302 = arith.index_cast %mul3A_299 : i32 to index
        %get3A_303 = tpu.vector_load %arg6[%get3A_301, %get3A_302] {strides = array<i32>} : memref<2x4096xi32, #tpu.memory_space<vmem>>, vector<16xi32>,
        %sub3A_304 = arith.constant 0 : i32
        %sub3A_305 = vector.broadcast %sub3A_304 : i32 to vector<16xi32>
        %sub3A_306 = arith.subi %get3A_303, %sub3A_305 : vector<16xi32>
        %lt3A_307 = arith.constant 50000 : i32
        %lt3A_308 = vector.broadcast %lt3A_307 : i32 to vector<16xi32>
        %lt3A_309 = arith.cmpi slt, %get3A_303, %lt3A_308 : vector<16xi32>
        %gather3A_310 = arith.constant 0 : i32
        %gather3A_311 = arith.constant 0 : i32
        %gather3A_312 = tpu.memref_slice %arg5[%gather3A_310, %gather3A_311] : memref<2x50000xf32, #tpu.memory_space<vmem>> -> memref<1x50000xf32, #tpu.memory_space<vmem>>
        %gather3A_313 = tpu.memref_squeeze %gather3A_312 : memref<1x50000xf32, #tpu.memory_space<vmem>> -> memref<50000xf32, #tpu.memory_space<vmem>>
        %gather3A_314 = tpu.vector_load_idx %gather3A_313[%sub3A_306] masked %lt3A_309 : memref<50000xf32, #tpu.memory_space<vmem>>[vector<16xi32>], vector<16xf32>, vector<16xi1>
        %swap3A_315 = arith.constant 0 : i32
        %swap3A_316 = arith.index_cast %swap3A_315 : i32 to index
        %swap3A_317 = arith.index_cast %mul3A_299 : i32 to index
        %swap3A_318 = tpu.vector_load %arg7[%swap3A_316, %swap3A_317] {strides = array<i32>} : memref<2x4096xf32, #tpu.memory_space<vmem>>, vector<16xf32>,
        tpu.vector_store %arg7[%swap3A_316, %swap3A_317], %gather3A_314 {strides = array<i32>} : memref<2x4096xf32, #tpu.memory_space<vmem>>, vector<16xf32>,
        %scan3A_319 = arith.constant 3 : i32
        %scan3A_320 = arith.addi %scan3A_255, %scan3A_319 : i32
        %mul3A_321 = arith.constant 16 : i32
        %mul3A_322 = arith.muli %scan3A_320, %mul3A_321 : i32
        %get3A_323 = arith.constant 0 : i32
        %get3A_324 = arith.index_cast %get3A_323 : i32 to index
        %get3A_325 = arith.index_cast %mul3A_322 : i32 to index
        %get3A_326 = tpu.vector_load %arg6[%get3A_324, %get3A_325] {strides = array<i32>} : memref<2x4096xi32, #tpu.memory_space<vmem>>, vector<16xi32>,
        %sub3A_327 = arith.constant 0 : i32
        %sub3A_328 = vector.broadcast %sub3A_327 : i32 to vector<16xi32>
        %sub3A_329 = arith.subi %get3A_326, %sub3A_328 : vector<16xi32>
        %lt3A_330 = arith.constant 50000 : i32
        %lt3A_331 = vector.broadcast %lt3A_330 : i32 to vector<16xi32>
        %lt3A_332 = arith.cmpi slt, %get3A_326, %lt3A_331 : vector<16xi32>
        %gather3A_333 = arith.constant 0 : i32
        %gather3A_334 = arith.constant 0 : i32
        %gather3A_335 = tpu.memref_slice %arg5[%gather3A_333, %gather3A_334] : memref<2x50000xf32, #tpu.memory_space<vmem>> -> memref<1x50000xf32, #tpu.memory_space<vmem>>
        %gather3A_336 = tpu.memref_squeeze %gather3A_335 : memref<1x50000xf32, #tpu.memory_space<vmem>> -> memref<50000xf32, #tpu.memory_space<vmem>>
        %gather3A_337 = tpu.vector_load_idx %gather3A_336[%sub3A_329] masked %lt3A_332 : memref<50000xf32, #tpu.memory_space<vmem>>[vector<16xi32>], vector<16xf32>, vector<16xi1>
        %swap3A_338 = arith.constant 0 : i32
        %swap3A_339 = arith.index_cast %swap3A_338 : i32 to index
        %swap3A_340 = arith.index_cast %mul3A_322 : i32 to index
        %swap3A_341 = tpu.vector_load %arg7[%swap3A_339, %swap3A_340] {strides = array<i32>} : memref<2x4096xf32, #tpu.memory_space<vmem>>, vector<16xf32>,
        tpu.vector_store %arg7[%swap3A_339, %swap3A_340], %gather3A_337 {strides = array<i32>} : memref<2x4096xf32, #tpu.memory_space<vmem>>, vector<16xf32>,
        %scan3A_342 = arith.constant 4 : i32
        %scan3A_343 = arith.addi %scan3A_255, %scan3A_342 : i32
        %mul3A_344 = arith.constant 16 : i32
        %mul3A_345 = arith.muli %scan3A_343, %mul3A_344 : i32
        %get3A_346 = arith.constant 0 : i32
        %get3A_347 = arith.index_cast %get3A_346 : i32 to index
        %get3A_348 = arith.index_cast %mul3A_345 : i32 to index
        %get3A_349 = tpu.vector_load %arg6[%get3A_347, %get3A_348] {strides = array<i32>} : memref<2x4096xi32, #tpu.memory_space<vmem>>, vector<16xi32>,
        %sub3A_350 = arith.constant 0 : i32
        %sub3A_351 = vector.broadcast %sub3A_350 : i32 to vector<16xi32>
        %sub3A_352 = arith.subi %get3A_349, %sub3A_351 : vector<16xi32>
        %lt3A_353 = arith.constant 50000 : i32
        %lt3A_354 = vector.broadcast %lt3A_353 : i32 to vector<16xi32>
        %lt3A_355 = arith.cmpi slt, %get3A_349, %lt3A_354 : vector<16xi32>
        %gather3A_356 = arith.constant 0 : i32
        %gather3A_357 = arith.constant 0 : i32
        %gather3A_358 = tpu.memref_slice %arg5[%gather3A_356, %gather3A_357] : memref<2x50000xf32, #tpu.memory_space<vmem>> -> memref<1x50000xf32, #tpu.memory_space<vmem>>
        %gather3A_359 = tpu.memref_squeeze %gather3A_358 : memref<1x50000xf32, #tpu.memory_space<vmem>> -> memref<50000xf32, #tpu.memory_space<vmem>>
        %gather3A_360 = tpu.vector_load_idx %gather3A_359[%sub3A_352] masked %lt3A_355 : memref<50000xf32, #tpu.memory_space<vmem>>[vector<16xi32>], vector<16xf32>, vector<16xi1>
        %swap3A_361 = arith.constant 0 : i32
        %swap3A_362 = arith.index_cast %swap3A_361 : i32 to index
        %swap3A_363 = arith.index_cast %mul3A_345 : i32 to index
        %swap3A_364 = tpu.vector_load %arg7[%swap3A_362, %swap3A_363] {strides = array<i32>} : memref<2x4096xf32, #tpu.memory_space<vmem>>, vector<16xf32>,
        tpu.vector_store %arg7[%swap3A_362, %swap3A_363], %gather3A_360 {strides = array<i32>} : memref<2x4096xf32, #tpu.memory_space<vmem>>, vector<16xf32>,
        %scan3A_365 = arith.constant 5 : i32
        %scan3A_366 = arith.addi %scan3A_255, %scan3A_365 : i32
        %mul3A_367 = arith.constant 16 : i32
        %mul3A_368 = arith.muli %scan3A_366, %mul3A_367 : i32
        %get3A_369 = arith.constant 0 : i32
        %get3A_370 = arith.index_cast %get3A_369 : i32 to index
        %get3A_371 = arith.index_cast %mul3A_368 : i32 to index
        %get3A_372 = tpu.vector_load %arg6[%get3A_370, %get3A_371] {strides = array<i32>} : memref<2x4096xi32, #tpu.memory_space<vmem>>, vector<16xi32>,
        %sub3A_373 = arith.constant 0 : i32
        %sub3A_374 = vector.broadcast %sub3A_373 : i32 to vector<16xi32>
        %sub3A_375 = arith.subi %get3A_372, %sub3A_374 : vector<16xi32>
        %lt3A_376 = arith.constant 50000 : i32
        %lt3A_377 = vector.broadcast %lt3A_376 : i32 to vector<16xi32>
        %lt3A_378 = arith.cmpi slt, %get3A_372, %lt3A_377 : vector<16xi32>
        %gather3A_379 = arith.constant 0 : i32
        %gather3A_380 = arith.constant 0 : i32
        %gather3A_381 = tpu.memref_slice %arg5[%gather3A_379, %gather3A_380] : memref<2x50000xf32, #tpu.memory_space<vmem>> -> memref<1x50000xf32, #tpu.memory_space<vmem>>
        %gather3A_382 = tpu.memref_squeeze %gather3A_381 : memref<1x50000xf32, #tpu.memory_space<vmem>> -> memref<50000xf32, #tpu.memory_space<vmem>>
        %gather3A_383 = tpu.vector_load_idx %gather3A_382[%sub3A_375] masked %lt3A_378 : memref<50000xf32, #tpu.memory_space<vmem>>[vector<16xi32>], vector<16xf32>, vector<16xi1>
        %swap3A_384 = arith.constant 0 : i32
        %swap3A_385 = arith.index_cast %swap3A_384 : i32 to index
        %swap3A_386 = arith.index_cast %mul3A_368 : i32 to index
        %swap3A_387 = tpu.vector_load %arg7[%swap3A_385, %swap3A_386] {strides = array<i32>} : memref<2x4096xf32, #tpu.memory_space<vmem>>, vector<16xf32>,
        tpu.vector_store %arg7[%swap3A_385, %swap3A_386], %gather3A_383 {strides = array<i32>} : memref<2x4096xf32, #tpu.memory_space<vmem>>, vector<16xf32>,
        %scan3A_388 = arith.constant 6 : i32
        %scan3A_389 = arith.addi %scan3A_255, %scan3A_388 : i32
        %mul3A_390 = arith.constant 16 : i32
        %mul3A_391 = arith.muli %scan3A_389, %mul3A_390 : i32
        %get3A_392 = arith.constant 0 : i32
        %get3A_393 = arith.index_cast %get3A_392 : i32 to index
        %get3A_394 = arith.index_cast %mul3A_391 : i32 to index
        %get3A_395 = tpu.vector_load %arg6[%get3A_393, %get3A_394] {strides = array<i32>} : memref<2x4096xi32, #tpu.memory_space<vmem>>, vector<16xi32>,
        %sub3A_396 = arith.constant 0 : i32
        %sub3A_397 = vector.broadcast %sub3A_396 : i32 to vector<16xi32>
        %sub3A_398 = arith.subi %get3A_395, %sub3A_397 : vector<16xi32>
        %lt3A_399 = arith.constant 50000 : i32
        %lt3A_400 = vector.broadcast %lt3A_399 : i32 to vector<16xi32>
        %lt3A_401 = arith.cmpi slt, %get3A_395, %lt3A_400 : vector<16xi32>
        %gather3A_402 = arith.constant 0 : i32
        %gather3A_403 = arith.constant 0 : i32
        %gather3A_404 = tpu.memref_slice %arg5[%gather3A_402, %gather3A_403] : memref<2x50000xf32, #tpu.memory_space<vmem>> -> memref<1x50000xf32, #tpu.memory_space<vmem>>
        %gather3A_405 = tpu.memref_squeeze %gather3A_404 : memref<1x50000xf32, #tpu.memory_space<vmem>> -> memref<50000xf32, #tpu.memory_space<vmem>>
        %gather3A_406 = tpu.vector_load_idx %gather3A_405[%sub3A_398] masked %lt3A_401 : memref<50000xf32, #tpu.memory_space<vmem>>[vector<16xi32>], vector<16xf32>, vector<16xi1>
        %swap3A_407 = arith.constant 0 : i32
        %swap3A_408 = arith.index_cast %swap3A_407 : i32 to index
        %swap3A_409 = arith.index_cast %mul3A_391 : i32 to index
        %swap3A_410 = tpu.vector_load %arg7[%swap3A_408, %swap3A_409] {strides = array<i32>} : memref<2x4096xf32, #tpu.memory_space<vmem>>, vector<16xf32>,
        tpu.vector_store %arg7[%swap3A_408, %swap3A_409], %gather3A_406 {strides = array<i32>} : memref<2x4096xf32, #tpu.memory_space<vmem>>, vector<16xf32>,
        %scan3A_411 = arith.constant 7 : i32
        %scan3A_412 = arith.addi %scan3A_255, %scan3A_411 : i32
        %mul3A_413 = arith.constant 16 : i32
        %mul3A_414 = arith.muli %scan3A_412, %mul3A_413 : i32
        %get3A_415 = arith.constant 0 : i32
        %get3A_416 = arith.index_cast %get3A_415 : i32 to index
        %get3A_417 = arith.index_cast %mul3A_414 : i32 to index
        %get3A_418 = tpu.vector_load %arg6[%get3A_416, %get3A_417] {strides = array<i32>} : memref<2x4096xi32, #tpu.memory_space<vmem>>, vector<16xi32>,
        %sub3A_419 = arith.constant 0 : i32
        %sub3A_420 = vector.broadcast %sub3A_419 : i32 to vector<16xi32>
        %sub3A_421 = arith.subi %get3A_418, %sub3A_420 : vector<16xi32>
        %lt3A_422 = arith.constant 50000 : i32
        %lt3A_423 = vector.broadcast %lt3A_422 : i32 to vector<16xi32>
        %lt3A_424 = arith.cmpi slt, %get3A_418, %lt3A_423 : vector<16xi32>
        %gather3A_425 = arith.constant 0 : i32
        %gather3A_426 = arith.constant 0 : i32
        %gather3A_427 = tpu.memref_slice %arg5[%gather3A_425, %gather3A_426] : memref<2x50000xf32, #tpu.memory_space<vmem>> -> memref<1x50000xf32, #tpu.memory_space<vmem>>
        %gather3A_428 = tpu.memref_squeeze %gather3A_427 : memref<1x50000xf32, #tpu.memory_space<vmem>> -> memref<50000xf32, #tpu.memory_space<vmem>>
        %gather3A_429 = tpu.vector_load_idx %gather3A_428[%sub3A_421] masked %lt3A_424 : memref<50000xf32, #tpu.memory_space<vmem>>[vector<16xi32>], vector<16xf32>, vector<16xi1>
        %swap3A_430 = arith.constant 0 : i32
        %swap3A_431 = arith.index_cast %swap3A_430 : i32 to index
        %swap3A_432 = arith.index_cast %mul3A_414 : i32 to index
        %swap3A_433 = tpu.vector_load %arg7[%swap3A_431, %swap3A_432] {strides = array<i32>} : memref<2x4096xf32, #tpu.memory_space<vmem>>, vector<16xf32>,
        tpu.vector_store %arg7[%swap3A_431, %swap3A_432], %gather3A_429 {strides = array<i32>} : memref<2x4096xf32, #tpu.memory_space<vmem>>, vector<16xf32>,
      }
      %scan3A_115 = arith.constant 256 : i32
      %add3A_116 = arith.constant 1 : i32
      %add3A_117 = arith.addi %mul3A_62, %add3A_116 : i32
      %lt3A_118 = arith.constant 26 : i32
      %lt3A_119 = arith.cmpi slt, %add3A_117, %lt3A_118 : i32
      %convert_element_type3A_120 = arith.extui %lt3A_119 : i1 to i32
      %cond3A_121 = arith.constant 0 : i32
      %cond3A_122 = arith.cmpi ne, %convert_element_type3A_120, %cond3A_121 : i32
      scf.if %cond3A_122 {
        %add3A_255 = arith.constant 1 : i32
        %add3A_256 = arith.addi %mul3A_62, %add3A_255 : i32
        %dma_start3A_257 = arith.constant 0 : i32
        %dma_start3A_258 = arith.constant 0 : i32
        %dma_start3A_259 = tpu.memref_slice %arg5[%dma_start3A_257, %dma_start3A_258] : memref<2x50000xf32, #tpu.memory_space<vmem>> -> memref<1x50000xf32, #tpu.memory_space<vmem>>
        %dma_start3A_260 = tpu.memref_squeeze %dma_start3A_259 : memref<1x50000xf32, #tpu.memory_space<vmem>> -> memref<50000xf32, #tpu.memory_space<vmem>>
        %dma_start3A_261 = arith.constant 0 : i32
        %dma_start3A_262 = tpu.memref_slice %arg2[%add3A_256, %add3A, %dma_start3A_261] : memref<26x32x100000xf32, #tpu.memory_space<hbm>> -> memref<1x1x50000xf32, #tpu.memory_space<hbm>>
        %dma_start3A_263 = tpu.memref_squeeze %dma_start3A_262 : memref<1x1x50000xf32, #tpu.memory_space<hbm>> -> memref<50000xf32, #tpu.memory_space<hbm>>
        %dma_start3A_264 = arith.constant 0 : i32
        %dma_start3A_265 = tpu.memref_slice %arg5[%dma_start3A_257, %dma_start3A_264] : memref<2x50000xf32, #tpu.memory_space<vmem>> -> memref<1x50000xf32, #tpu.memory_space<vmem>>
        %dma_start3A_266 = tpu.memref_squeeze %dma_start3A_265 : memref<1x50000xf32, #tpu.memory_space<vmem>> -> memref<50000xf32, #tpu.memory_space<vmem>>
        %dma_start3A_267 = arith.constant 0 : i32
        %dma_start3A_268 = tpu.memref_slice %arg2[%add3A_256, %add3A, %dma_start3A_267] : memref<26x32x100000xf32, #tpu.memory_space<hbm>> -> memref<1x1x50000xf32, #tpu.memory_space<hbm>>
        %dma_start3A_269 = tpu.memref_squeeze %dma_start3A_268 : memref<1x1x50000xf32, #tpu.memory_space<hbm>> -> memref<50000xf32, #tpu.memory_space<hbm>>
        tpu.enqueue_dma source(%dma_start3A_269 : memref<50000xf32, #tpu.memory_space<hbm>>) target(%dma_start3A_266 : memref<50000xf32, #tpu.memory_space<vmem>>) target_semaphore(%arg8 : memref<!tpu.dma_semaphore, #tpu.memory_space<semaphore_mem>>)
      } else {
      }
      %dma_wait3A_123 = arith.constant 1 : i32
      %dma_wait3A_124 = arith.constant 0 : i32
      %dma_wait3A_125 = tpu.memref_slice %arg5[%dma_wait3A_123, %dma_wait3A_124] : memref<2x50000xf32, #tpu.memory_space<vmem>> -> memref<1x50000xf32, #tpu.memory_space<vmem>>
      %dma_wait3A_126 = tpu.memref_squeeze %dma_wait3A_125 : memref<1x50000xf32, #tpu.memory_space<vmem>> -> memref<50000xf32, #tpu.memory_space<vmem>>
      %dma_wait3A_127 = arith.constant 50000 : i32
      %dma_wait3A_128 = tpu.memref_slice %arg2[%mul3A_62, %add3A, %dma_wait3A_127] : memref<26x32x100000xf32, #tpu.memory_space<hbm>> -> memref<1x1x50000xf32, #tpu.memory_space<hbm>>
      %dma_wait3A_129 = tpu.memref_squeeze %dma_wait3A_128 : memref<1x1x50000xf32, #tpu.memory_space<hbm>> -> memref<50000xf32, #tpu.memory_space<hbm>>
      %dma_wait3A_130 = arith.constant 0 : i32
      %dma_wait3A_131 = tpu.memref_slice %arg5[%dma_wait3A_123, %dma_wait3A_130] : memref<2x50000xf32, #tpu.memory_space<vmem>> -> memref<1x50000xf32, #tpu.memory_space<vmem>>
      %dma_wait3A_132 = tpu.memref_squeeze %dma_wait3A_131 : memref<1x50000xf32, #tpu.memory_space<vmem>> -> memref<50000xf32, #tpu.memory_space<vmem>>
      %dma_wait3A_133 = arith.constant 50000 : i32
      %dma_wait3A_134 = tpu.memref_slice %arg2[%mul3A_62, %add3A, %dma_wait3A_133] : memref<26x32x100000xf32, #tpu.memory_space<hbm>> -> memref<1x1x50000xf32, #tpu.memory_space<hbm>>
      %dma_wait3A_135 = tpu.memref_squeeze %dma_wait3A_134 : memref<1x1x50000xf32, #tpu.memory_space<hbm>> -> memref<50000xf32, #tpu.memory_space<hbm>>
      tpu.wait_dma2 semaphore(%arg9 : memref<!tpu.dma_semaphore, #tpu.memory_space<semaphore_mem>>) src(%dma_wait3A_135 : memref<50000xf32, #tpu.memory_space<hbm>>) dst(%dma_wait3A_132 : memref<50000xf32, #tpu.memory_space<vmem>>)
      %scan3A_136 = arith.constant 0 : i32
      %scan3A_137 = arith.constant 0 : i32
      %scan3A_138 = arith.constant 256 : i32
      %scan3A_139 = arith.addi %scan3A_137, %scan3A_138 : i32
      %scan3A_140 = arith.constant 8 : i32
      scf.for %scan3A_255 = %scan3A_137 to %scan3A_139 step %scan3A_140  : i32 {
        %mul3A_256 = arith.constant 16 : i32
        %mul3A_257 = arith.muli %scan3A_255, %mul3A_256 : i32
        %get3A = arith.constant 0 : i32
        %get3A_258 = arith.index_cast %get3A : i32 to index
        %get3A_259 = arith.index_cast %mul3A_257 : i32 to index
        %get3A_260 = tpu.vector_load %arg6[%get3A_258, %get3A_259] {strides = array<i32>} : memref<2x4096xi32, #tpu.memory_space<vmem>>, vector<16xi32>,
        %sub3A = arith.constant 50000 : i32
        %sub3A_261 = vector.broadcast %sub3A : i32 to vector<16xi32>
        %sub3A_262 = arith.subi %get3A_260, %sub3A_261 : vector<16xi32>
        %ge3A_263 = arith.constant 50000 : i32
        %ge3A_264 = vector.broadcast %ge3A_263 : i32 to vector<16xi32>
        %ge3A_265 = arith.cmpi sge, %get3A_260, %ge3A_264 : vector<16xi32>
        %gather3A = arith.constant 1 : i32
        %gather3A_266 = arith.constant 0 : i32
        %gather3A_267 = tpu.memref_slice %arg5[%gather3A, %gather3A_266] : memref<2x50000xf32, #tpu.memory_space<vmem>> -> memref<1x50000xf32, #tpu.memory_space<vmem>>
        %gather3A_268 = tpu.memref_squeeze %gather3A_267 : memref<1x50000xf32, #tpu.memory_space<vmem>> -> memref<50000xf32, #tpu.memory_space<vmem>>
        %gather3A_269 = tpu.vector_load_idx %gather3A_268[%sub3A_262] masked %ge3A_265 : memref<50000xf32, #tpu.memory_space<vmem>>[vector<16xi32>], vector<16xf32>, vector<16xi1>
        %get3A_270 = arith.constant 0 : i32
        %get3A_271 = arith.index_cast %get3A_270 : i32 to index
        %get3A_272 = arith.index_cast %mul3A_257 : i32 to index
        %get3A_273 = tpu.vector_load %arg7[%get3A_271, %get3A_272] {strides = array<i32>} : memref<2x4096xf32, #tpu.memory_space<vmem>>, vector<16xf32>,
        %select_n3A = arith.select %ge3A_265, %gather3A_269, %get3A_273 : vector<16xi1>, vector<16xf32>
        %swap3A = arith.constant 0 : i32
        %swap3A_274 = arith.index_cast %swap3A : i32 to index
        %swap3A_275 = arith.index_cast %mul3A_257 : i32 to index
        %swap3A_276 = tpu.vector_load %arg7[%swap3A_274, %swap3A_275] {strides = array<i32>} : memref<2x4096xf32, #tpu.memory_space<vmem>>, vector<16xf32>,
        tpu.vector_store %arg7[%swap3A_274, %swap3A_275], %select_n3A {strides = array<i32>} : memref<2x4096xf32, #tpu.memory_space<vmem>>, vector<16xf32>,
        %scan3A_277 = arith.constant 1 : i32
        %scan3A_278 = arith.addi %scan3A_255, %scan3A_277 : i32
        %mul3A_279 = arith.constant 16 : i32
        %mul3A_280 = arith.muli %scan3A_278, %mul3A_279 : i32
        %get3A_281 = arith.constant 0 : i32
        %get3A_282 = arith.index_cast %get3A_281 : i32 to index
        %get3A_283 = arith.index_cast %mul3A_280 : i32 to index
        %get3A_284 = tpu.vector_load %arg6[%get3A_282, %get3A_283] {strides = array<i32>} : memref<2x4096xi32, #tpu.memory_space<vmem>>, vector<16xi32>,
        %sub3A_285 = arith.constant 50000 : i32
        %sub3A_286 = vector.broadcast %sub3A_285 : i32 to vector<16xi32>
        %sub3A_287 = arith.subi %get3A_284, %sub3A_286 : vector<16xi32>
        %ge3A_288 = arith.constant 50000 : i32
        %ge3A_289 = vector.broadcast %ge3A_288 : i32 to vector<16xi32>
        %ge3A_290 = arith.cmpi sge, %get3A_284, %ge3A_289 : vector<16xi32>
        %gather3A_291 = arith.constant 1 : i32
        %gather3A_292 = arith.constant 0 : i32
        %gather3A_293 = tpu.memref_slice %arg5[%gather3A_291, %gather3A_292] : memref<2x50000xf32, #tpu.memory_space<vmem>> -> memref<1x50000xf32, #tpu.memory_space<vmem>>
        %gather3A_294 = tpu.memref_squeeze %gather3A_293 : memref<1x50000xf32, #tpu.memory_space<vmem>> -> memref<50000xf32, #tpu.memory_space<vmem>>
        %gather3A_295 = tpu.vector_load_idx %gather3A_294[%sub3A_287] masked %ge3A_290 : memref<50000xf32, #tpu.memory_space<vmem>>[vector<16xi32>], vector<16xf32>, vector<16xi1>
        %get3A_296 = arith.constant 0 : i32
        %get3A_297 = arith.index_cast %get3A_296 : i32 to index
        %get3A_298 = arith.index_cast %mul3A_280 : i32 to index
        %get3A_299 = tpu.vector_load %arg7[%get3A_297, %get3A_298] {strides = array<i32>} : memref<2x4096xf32, #tpu.memory_space<vmem>>, vector<16xf32>,
        %select_n3A_300 = arith.select %ge3A_290, %gather3A_295, %get3A_299 : vector<16xi1>, vector<16xf32>
        %swap3A_301 = arith.constant 0 : i32
        %swap3A_302 = arith.index_cast %swap3A_301 : i32 to index
        %swap3A_303 = arith.index_cast %mul3A_280 : i32 to index
        %swap3A_304 = tpu.vector_load %arg7[%swap3A_302, %swap3A_303] {strides = array<i32>} : memref<2x4096xf32, #tpu.memory_space<vmem>>, vector<16xf32>,
        tpu.vector_store %arg7[%swap3A_302, %swap3A_303], %select_n3A_300 {strides = array<i32>} : memref<2x4096xf32, #tpu.memory_space<vmem>>, vector<16xf32>,
        %scan3A_305 = arith.constant 2 : i32
        %scan3A_306 = arith.addi %scan3A_255, %scan3A_305 : i32
        %mul3A_307 = arith.constant 16 : i32
        %mul3A_308 = arith.muli %scan3A_306, %mul3A_307 : i32
        %get3A_309 = arith.constant 0 : i32
        %get3A_310 = arith.index_cast %get3A_309 : i32 to index
        %get3A_311 = arith.index_cast %mul3A_308 : i32 to index
        %get3A_312 = tpu.vector_load %arg6[%get3A_310, %get3A_311] {strides = array<i32>} : memref<2x4096xi32, #tpu.memory_space<vmem>>, vector<16xi32>,
        %sub3A_313 = arith.constant 50000 : i32
        %sub3A_314 = vector.broadcast %sub3A_313 : i32 to vector<16xi32>
        %sub3A_315 = arith.subi %get3A_312, %sub3A_314 : vector<16xi32>
        %ge3A_316 = arith.constant 50000 : i32
        %ge3A_317 = vector.broadcast %ge3A_316 : i32 to vector<16xi32>
        %ge3A_318 = arith.cmpi sge, %get3A_312, %ge3A_317 : vector<16xi32>
        %gather3A_319 = arith.constant 1 : i32
        %gather3A_320 = arith.constant 0 : i32
        %gather3A_321 = tpu.memref_slice %arg5[%gather3A_319, %gather3A_320] : memref<2x50000xf32, #tpu.memory_space<vmem>> -> memref<1x50000xf32, #tpu.memory_space<vmem>>
        %gather3A_322 = tpu.memref_squeeze %gather3A_321 : memref<1x50000xf32, #tpu.memory_space<vmem>> -> memref<50000xf32, #tpu.memory_space<vmem>>
        %gather3A_323 = tpu.vector_load_idx %gather3A_322[%sub3A_315] masked %ge3A_318 : memref<50000xf32, #tpu.memory_space<vmem>>[vector<16xi32>], vector<16xf32>, vector<16xi1>
        %get3A_324 = arith.constant 0 : i32
        %get3A_325 = arith.index_cast %get3A_324 : i32 to index
        %get3A_326 = arith.index_cast %mul3A_308 : i32 to index
        %get3A_327 = tpu.vector_load %arg7[%get3A_325, %get3A_326] {strides = array<i32>} : memref<2x4096xf32, #tpu.memory_space<vmem>>, vector<16xf32>,
        %select_n3A_328 = arith.select %ge3A_318, %gather3A_323, %get3A_327 : vector<16xi1>, vector<16xf32>
        %swap3A_329 = arith.constant 0 : i32
        %swap3A_330 = arith.index_cast %swap3A_329 : i32 to index
        %swap3A_331 = arith.index_cast %mul3A_308 : i32 to index
        %swap3A_332 = tpu.vector_load %arg7[%swap3A_330, %swap3A_331] {strides = array<i32>} : memref<2x4096xf32, #tpu.memory_space<vmem>>, vector<16xf32>,
        tpu.vector_store %arg7[%swap3A_330, %swap3A_331], %select_n3A_328 {strides = array<i32>} : memref<2x4096xf32, #tpu.memory_space<vmem>>, vector<16xf32>,
        %scan3A_333 = arith.constant 3 : i32
        %scan3A_334 = arith.addi %scan3A_255, %scan3A_333 : i32
        %mul3A_335 = arith.constant 16 : i32
        %mul3A_336 = arith.muli %scan3A_334, %mul3A_335 : i32
        %get3A_337 = arith.constant 0 : i32
        %get3A_338 = arith.index_cast %get3A_337 : i32 to index
        %get3A_339 = arith.index_cast %mul3A_336 : i32 to index
        %get3A_340 = tpu.vector_load %arg6[%get3A_338, %get3A_339] {strides = array<i32>} : memref<2x4096xi32, #tpu.memory_space<vmem>>, vector<16xi32>,
        %sub3A_341 = arith.constant 50000 : i32
        %sub3A_342 = vector.broadcast %sub3A_341 : i32 to vector<16xi32>
        %sub3A_343 = arith.subi %get3A_340, %sub3A_342 : vector<16xi32>
        %ge3A_344 = arith.constant 50000 : i32
        %ge3A_345 = vector.broadcast %ge3A_344 : i32 to vector<16xi32>
        %ge3A_346 = arith.cmpi sge, %get3A_340, %ge3A_345 : vector<16xi32>
        %gather3A_347 = arith.constant 1 : i32
        %gather3A_348 = arith.constant 0 : i32
        %gather3A_349 = tpu.memref_slice %arg5[%gather3A_347, %gather3A_348] : memref<2x50000xf32, #tpu.memory_space<vmem>> -> memref<1x50000xf32, #tpu.memory_space<vmem>>
        %gather3A_350 = tpu.memref_squeeze %gather3A_349 : memref<1x50000xf32, #tpu.memory_space<vmem>> -> memref<50000xf32, #tpu.memory_space<vmem>>
        %gather3A_351 = tpu.vector_load_idx %gather3A_350[%sub3A_343] masked %ge3A_346 : memref<50000xf32, #tpu.memory_space<vmem>>[vector<16xi32>], vector<16xf32>, vector<16xi1>
        %get3A_352 = arith.constant 0 : i32
        %get3A_353 = arith.index_cast %get3A_352 : i32 to index
        %get3A_354 = arith.index_cast %mul3A_336 : i32 to index
        %get3A_355 = tpu.vector_load %arg7[%get3A_353, %get3A_354] {strides = array<i32>} : memref<2x4096xf32, #tpu.memory_space<vmem>>, vector<16xf32>,
        %select_n3A_356 = arith.select %ge3A_346, %gather3A_351, %get3A_355 : vector<16xi1>, vector<16xf32>
        %swap3A_357 = arith.constant 0 : i32
        %swap3A_358 = arith.index_cast %swap3A_357 : i32 to index
        %swap3A_359 = arith.index_cast %mul3A_336 : i32 to index
        %swap3A_360 = tpu.vector_load %arg7[%swap3A_358, %swap3A_359] {strides = array<i32>} : memref<2x4096xf32, #tpu.memory_space<vmem>>, vector<16xf32>,
        tpu.vector_store %arg7[%swap3A_358, %swap3A_359], %select_n3A_356 {strides = array<i32>} : memref<2x4096xf32, #tpu.memory_space<vmem>>, vector<16xf32>,
        %scan3A_361 = arith.constant 4 : i32
        %scan3A_362 = arith.addi %scan3A_255, %scan3A_361 : i32
        %mul3A_363 = arith.constant 16 : i32
        %mul3A_364 = arith.muli %scan3A_362, %mul3A_363 : i32
        %get3A_365 = arith.constant 0 : i32
        %get3A_366 = arith.index_cast %get3A_365 : i32 to index
        %get3A_367 = arith.index_cast %mul3A_364 : i32 to index
        %get3A_368 = tpu.vector_load %arg6[%get3A_366, %get3A_367] {strides = array<i32>} : memref<2x4096xi32, #tpu.memory_space<vmem>>, vector<16xi32>,
        %sub3A_369 = arith.constant 50000 : i32
        %sub3A_370 = vector.broadcast %sub3A_369 : i32 to vector<16xi32>
        %sub3A_371 = arith.subi %get3A_368, %sub3A_370 : vector<16xi32>
        %ge3A_372 = arith.constant 50000 : i32
        %ge3A_373 = vector.broadcast %ge3A_372 : i32 to vector<16xi32>
        %ge3A_374 = arith.cmpi sge, %get3A_368, %ge3A_373 : vector<16xi32>
        %gather3A_375 = arith.constant 1 : i32
        %gather3A_376 = arith.constant 0 : i32
        %gather3A_377 = tpu.memref_slice %arg5[%gather3A_375, %gather3A_376] : memref<2x50000xf32, #tpu.memory_space<vmem>> -> memref<1x50000xf32, #tpu.memory_space<vmem>>
        %gather3A_378 = tpu.memref_squeeze %gather3A_377 : memref<1x50000xf32, #tpu.memory_space<vmem>> -> memref<50000xf32, #tpu.memory_space<vmem>>
        %gather3A_379 = tpu.vector_load_idx %gather3A_378[%sub3A_371] masked %ge3A_374 : memref<50000xf32, #tpu.memory_space<vmem>>[vector<16xi32>], vector<16xf32>, vector<16xi1>
        %get3A_380 = arith.constant 0 : i32
        %get3A_381 = arith.index_cast %get3A_380 : i32 to index
        %get3A_382 = arith.index_cast %mul3A_364 : i32 to index
        %get3A_383 = tpu.vector_load %arg7[%get3A_381, %get3A_382] {strides = array<i32>} : memref<2x4096xf32, #tpu.memory_space<vmem>>, vector<16xf32>,
        %select_n3A_384 = arith.select %ge3A_374, %gather3A_379, %get3A_383 : vector<16xi1>, vector<16xf32>
        %swap3A_385 = arith.constant 0 : i32
        %swap3A_386 = arith.index_cast %swap3A_385 : i32 to index
        %swap3A_387 = arith.index_cast %mul3A_364 : i32 to index
        %swap3A_388 = tpu.vector_load %arg7[%swap3A_386, %swap3A_387] {strides = array<i32>} : memref<2x4096xf32, #tpu.memory_space<vmem>>, vector<16xf32>,
        tpu.vector_store %arg7[%swap3A_386, %swap3A_387], %select_n3A_384 {strides = array<i32>} : memref<2x4096xf32, #tpu.memory_space<vmem>>, vector<16xf32>,
        %scan3A_389 = arith.constant 5 : i32
        %scan3A_390 = arith.addi %scan3A_255, %scan3A_389 : i32
        %mul3A_391 = arith.constant 16 : i32
        %mul3A_392 = arith.muli %scan3A_390, %mul3A_391 : i32
        %get3A_393 = arith.constant 0 : i32
        %get3A_394 = arith.index_cast %get3A_393 : i32 to index
        %get3A_395 = arith.index_cast %mul3A_392 : i32 to index
        %get3A_396 = tpu.vector_load %arg6[%get3A_394, %get3A_395] {strides = array<i32>} : memref<2x4096xi32, #tpu.memory_space<vmem>>, vector<16xi32>,
        %sub3A_397 = arith.constant 50000 : i32
        %sub3A_398 = vector.broadcast %sub3A_397 : i32 to vector<16xi32>
        %sub3A_399 = arith.subi %get3A_396, %sub3A_398 : vector<16xi32>
        %ge3A_400 = arith.constant 50000 : i32
        %ge3A_401 = vector.broadcast %ge3A_400 : i32 to vector<16xi32>
        %ge3A_402 = arith.cmpi sge, %get3A_396, %ge3A_401 : vector<16xi32>
        %gather3A_403 = arith.constant 1 : i32
        %gather3A_404 = arith.constant 0 : i32
        %gather3A_405 = tpu.memref_slice %arg5[%gather3A_403, %gather3A_404] : memref<2x50000xf32, #tpu.memory_space<vmem>> -> memref<1x50000xf32, #tpu.memory_space<vmem>>
        %gather3A_406 = tpu.memref_squeeze %gather3A_405 : memref<1x50000xf32, #tpu.memory_space<vmem>> -> memref<50000xf32, #tpu.memory_space<vmem>>
        %gather3A_407 = tpu.vector_load_idx %gather3A_406[%sub3A_399] masked %ge3A_402 : memref<50000xf32, #tpu.memory_space<vmem>>[vector<16xi32>], vector<16xf32>, vector<16xi1>
        %get3A_408 = arith.constant 0 : i32
        %get3A_409 = arith.index_cast %get3A_408 : i32 to index
        %get3A_410 = arith.index_cast %mul3A_392 : i32 to index
        %get3A_411 = tpu.vector_load %arg7[%get3A_409, %get3A_410] {strides = array<i32>} : memref<2x4096xf32, #tpu.memory_space<vmem>>, vector<16xf32>,
        %select_n3A_412 = arith.select %ge3A_402, %gather3A_407, %get3A_411 : vector<16xi1>, vector<16xf32>
        %swap3A_413 = arith.constant 0 : i32
        %swap3A_414 = arith.index_cast %swap3A_413 : i32 to index
        %swap3A_415 = arith.index_cast %mul3A_392 : i32 to index
        %swap3A_416 = tpu.vector_load %arg7[%swap3A_414, %swap3A_415] {strides = array<i32>} : memref<2x4096xf32, #tpu.memory_space<vmem>>, vector<16xf32>,
        tpu.vector_store %arg7[%swap3A_414, %swap3A_415], %select_n3A_412 {strides = array<i32>} : memref<2x4096xf32, #tpu.memory_space<vmem>>, vector<16xf32>,
        %scan3A_417 = arith.constant 6 : i32
        %scan3A_418 = arith.addi %scan3A_255, %scan3A_417 : i32
        %mul3A_419 = arith.constant 16 : i32
        %mul3A_420 = arith.muli %scan3A_418, %mul3A_419 : i32
        %get3A_421 = arith.constant 0 : i32
        %get3A_422 = arith.index_cast %get3A_421 : i32 to index
        %get3A_423 = arith.index_cast %mul3A_420 : i32 to index
        %get3A_424 = tpu.vector_load %arg6[%get3A_422, %get3A_423] {strides = array<i32>} : memref<2x4096xi32, #tpu.memory_space<vmem>>, vector<16xi32>,
        %sub3A_425 = arith.constant 50000 : i32
        %sub3A_426 = vector.broadcast %sub3A_425 : i32 to vector<16xi32>
        %sub3A_427 = arith.subi %get3A_424, %sub3A_426 : vector<16xi32>
        %ge3A_428 = arith.constant 50000 : i32
        %ge3A_429 = vector.broadcast %ge3A_428 : i32 to vector<16xi32>
        %ge3A_430 = arith.cmpi sge, %get3A_424, %ge3A_429 : vector<16xi32>
        %gather3A_431 = arith.constant 1 : i32
        %gather3A_432 = arith.constant 0 : i32
        %gather3A_433 = tpu.memref_slice %arg5[%gather3A_431, %gather3A_432] : memref<2x50000xf32, #tpu.memory_space<vmem>> -> memref<1x50000xf32, #tpu.memory_space<vmem>>
        %gather3A_434 = tpu.memref_squeeze %gather3A_433 : memref<1x50000xf32, #tpu.memory_space<vmem>> -> memref<50000xf32, #tpu.memory_space<vmem>>
        %gather3A_435 = tpu.vector_load_idx %gather3A_434[%sub3A_427] masked %ge3A_430 : memref<50000xf32, #tpu.memory_space<vmem>>[vector<16xi32>], vector<16xf32>, vector<16xi1>
        %get3A_436 = arith.constant 0 : i32
        %get3A_437 = arith.index_cast %get3A_436 : i32 to index
        %get3A_438 = arith.index_cast %mul3A_420 : i32 to index
        %get3A_439 = tpu.vector_load %arg7[%get3A_437, %get3A_438] {strides = array<i32>} : memref<2x4096xf32, #tpu.memory_space<vmem>>, vector<16xf32>,
        %select_n3A_440 = arith.select %ge3A_430, %gather3A_435, %get3A_439 : vector<16xi1>, vector<16xf32>
        %swap3A_441 = arith.constant 0 : i32
        %swap3A_442 = arith.index_cast %swap3A_441 : i32 to index
        %swap3A_443 = arith.index_cast %mul3A_420 : i32 to index
        %swap3A_444 = tpu.vector_load %arg7[%swap3A_442, %swap3A_443] {strides = array<i32>} : memref<2x4096xf32, #tpu.memory_space<vmem>>, vector<16xf32>,
        tpu.vector_store %arg7[%swap3A_442, %swap3A_443], %select_n3A_440 {strides = array<i32>} : memref<2x4096xf32, #tpu.memory_space<vmem>>, vector<16xf32>,
        %scan3A_445 = arith.constant 7 : i32
        %scan3A_446 = arith.addi %scan3A_255, %scan3A_445 : i32
        %mul3A_447 = arith.constant 16 : i32
        %mul3A_448 = arith.muli %scan3A_446, %mul3A_447 : i32
        %get3A_449 = arith.constant 0 : i32
        %get3A_450 = arith.index_cast %get3A_449 : i32 to index
        %get3A_451 = arith.index_cast %mul3A_448 : i32 to index
        %get3A_452 = tpu.vector_load %arg6[%get3A_450, %get3A_451] {strides = array<i32>} : memref<2x4096xi32, #tpu.memory_space<vmem>>, vector<16xi32>,
        %sub3A_453 = arith.constant 50000 : i32
        %sub3A_454 = vector.broadcast %sub3A_453 : i32 to vector<16xi32>
        %sub3A_455 = arith.subi %get3A_452, %sub3A_454 : vector<16xi32>
        %ge3A_456 = arith.constant 50000 : i32
        %ge3A_457 = vector.broadcast %ge3A_456 : i32 to vector<16xi32>
        %ge3A_458 = arith.cmpi sge, %get3A_452, %ge3A_457 : vector<16xi32>
        %gather3A_459 = arith.constant 1 : i32
        %gather3A_460 = arith.constant 0 : i32
        %gather3A_461 = tpu.memref_slice %arg5[%gather3A_459, %gather3A_460] : memref<2x50000xf32, #tpu.memory_space<vmem>> -> memref<1x50000xf32, #tpu.memory_space<vmem>>
        %gather3A_462 = tpu.memref_squeeze %gather3A_461 : memref<1x50000xf32, #tpu.memory_space<vmem>> -> memref<50000xf32, #tpu.memory_space<vmem>>
        %gather3A_463 = tpu.vector_load_idx %gather3A_462[%sub3A_455] masked %ge3A_458 : memref<50000xf32, #tpu.memory_space<vmem>>[vector<16xi32>], vector<16xf32>, vector<16xi1>
        %get3A_464 = arith.constant 0 : i32
        %get3A_465 = arith.index_cast %get3A_464 : i32 to index
        %get3A_466 = arith.index_cast %mul3A_448 : i32 to index
        %get3A_467 = tpu.vector_load %arg7[%get3A_465, %get3A_466] {strides = array<i32>} : memref<2x4096xf32, #tpu.memory_space<vmem>>, vector<16xf32>,
        %select_n3A_468 = arith.select %ge3A_458, %gather3A_463, %get3A_467 : vector<16xi1>, vector<16xf32>
        %swap3A_469 = arith.constant 0 : i32
        %swap3A_470 = arith.index_cast %swap3A_469 : i32 to index
        %swap3A_471 = arith.index_cast %mul3A_448 : i32 to index
        %swap3A_472 = tpu.vector_load %arg7[%swap3A_470, %swap3A_471] {strides = array<i32>} : memref<2x4096xf32, #tpu.memory_space<vmem>>, vector<16xf32>,
        tpu.vector_store %arg7[%swap3A_470, %swap3A_471], %select_n3A_468 {strides = array<i32>} : memref<2x4096xf32, #tpu.memory_space<vmem>>, vector<16xf32>,
      }
      %scan3A_141 = arith.constant 256 : i32
      %dma_start3A_142 = arith.constant 0 : i32
      %dma_start3A_143 = arith.constant 0 : i32
      %dma_start3A_144 = tpu.memref_slice %arg7[%dma_start3A_142, %dma_start3A_143] : memref<2x4096xf32, #tpu.memory_space<vmem>> -> memref<1x4096xf32, #tpu.memory_space<vmem>>
      %dma_start3A_145 = tpu.memref_squeeze %dma_start3A_144 : memref<1x4096xf32, #tpu.memory_space<vmem>> -> memref<4096xf32, #tpu.memory_space<vmem>>
      %dma_start3A_146 = arith.constant 0 : i32
      %dma_start3A_147 = tpu.memref_slice %arg4[%mul3A_62, %add3A, %dma_start3A_146] : memref<26x32x4096xf32, #tpu.memory_space<hbm>> -> memref<1x1x4096xf32, #tpu.memory_space<hbm>>
      %dma_start3A_148 = tpu.memref_squeeze %dma_start3A_147 : memref<1x1x4096xf32, #tpu.memory_space<hbm>> -> memref<4096xf32, #tpu.memory_space<hbm>>
      %dma_start3A_149 = arith.constant 0 : i32
      %dma_start3A_150 = tpu.memref_slice %arg4[%mul3A_62, %add3A, %dma_start3A_149] : memref<26x32x4096xf32, #tpu.memory_space<hbm>> -> memref<1x1x4096xf32, #tpu.memory_space<hbm>>
      %dma_start3A_151 = tpu.memref_squeeze %dma_start3A_150 : memref<1x1x4096xf32, #tpu.memory_space<hbm>> -> memref<4096xf32, #tpu.memory_space<hbm>>
      %dma_start3A_152 = arith.constant 0 : i32
      %dma_start3A_153 = tpu.memref_slice %arg7[%dma_start3A_142, %dma_start3A_152] : memref<2x4096xf32, #tpu.memory_space<vmem>> -> memref<1x4096xf32, #tpu.memory_space<vmem>>
      %dma_start3A_154 = tpu.memref_squeeze %dma_start3A_153 : memref<1x4096xf32, #tpu.memory_space<vmem>> -> memref<4096xf32, #tpu.memory_space<vmem>>
      tpu.enqueue_dma source(%dma_start3A_154 : memref<4096xf32, #tpu.memory_space<vmem>>) target(%dma_start3A_151 : memref<4096xf32, #tpu.memory_space<hbm>>) target_semaphore(%arg11 : memref<!tpu.dma_semaphore, #tpu.memory_space<semaphore_mem>>)
      %mul3A_155 = arith.constant 2 : i32
      %mul3A_156 = arith.muli %mul3A_155, %scan3A_60 : i32
      %add3A_157 = arith.constant 1 : i32
      %add3A_158 = arith.addi %mul3A_156, %add3A_157 : i32
      %dma_start3A_159 = arith.constant 1 : i32
      %dma_start3A_160 = arith.constant 0 : i32
      %dma_start3A_161 = tpu.memref_slice %arg5[%dma_start3A_159, %dma_start3A_160] : memref<2x50000xf32, #tpu.memory_space<vmem>> -> memref<1x50000xf32, #tpu.memory_space<vmem>>
      %dma_start3A_162 = tpu.memref_squeeze %dma_start3A_161 : memref<1x50000xf32, #tpu.memory_space<vmem>> -> memref<50000xf32, #tpu.memory_space<vmem>>
      %dma_start3A_163 = arith.constant 50000 : i32
      %dma_start3A_164 = tpu.memref_slice %arg2[%add3A_158, %add3A, %dma_start3A_163] : memref<26x32x100000xf32, #tpu.memory_space<hbm>> -> memref<1x1x50000xf32, #tpu.memory_space<hbm>>
      %dma_start3A_165 = tpu.memref_squeeze %dma_start3A_164 : memref<1x1x50000xf32, #tpu.memory_space<hbm>> -> memref<50000xf32, #tpu.memory_space<hbm>>
      %dma_start3A_166 = arith.constant 0 : i32
      %dma_start3A_167 = tpu.memref_slice %arg5[%dma_start3A_159, %dma_start3A_166] : memref<2x50000xf32, #tpu.memory_space<vmem>> -> memref<1x50000xf32, #tpu.memory_space<vmem>>
      %dma_start3A_168 = tpu.memref_squeeze %dma_start3A_167 : memref<1x50000xf32, #tpu.memory_space<vmem>> -> memref<50000xf32, #tpu.memory_space<vmem>>
      %dma_start3A_169 = arith.constant 50000 : i32
      %dma_start3A_170 = tpu.memref_slice %arg2[%add3A_158, %add3A, %dma_start3A_169] : memref<26x32x100000xf32, #tpu.memory_space<hbm>> -> memref<1x1x50000xf32, #tpu.memory_space<hbm>>
      %dma_start3A_171 = tpu.memref_squeeze %dma_start3A_170 : memref<1x1x50000xf32, #tpu.memory_space<hbm>> -> memref<50000xf32, #tpu.memory_space<hbm>>
      tpu.enqueue_dma source(%dma_start3A_171 : memref<50000xf32, #tpu.memory_space<hbm>>) target(%dma_start3A_168 : memref<50000xf32, #tpu.memory_space<vmem>>) target_semaphore(%arg9 : memref<!tpu.dma_semaphore, #tpu.memory_space<semaphore_mem>>)
      %dma_wait3A_172 = arith.constant 1 : i32
      %dma_wait3A_173 = arith.constant 0 : i32
      %dma_wait3A_174 = tpu.memref_slice %arg6[%dma_wait3A_172, %dma_wait3A_173] : memref<2x4096xi32, #tpu.memory_space<vmem>> -> memref<1x4096xi32, #tpu.memory_space<vmem>>
      %dma_wait3A_175 = tpu.memref_squeeze %dma_wait3A_174 : memref<1x4096xi32, #tpu.memory_space<vmem>> -> memref<4096xi32, #tpu.memory_space<vmem>>
      %dma_wait3A_176 = arith.constant 0 : i32
      %dma_wait3A_177 = tpu.memref_slice %arg3[%add3A_158, %dma_wait3A_176] : memref<26x4096xi32, #tpu.memory_space<hbm>> -> memref<1x4096xi32, #tpu.memory_space<hbm>>
      %dma_wait3A_178 = tpu.memref_squeeze %dma_wait3A_177 : memref<1x4096xi32, #tpu.memory_space<hbm>> -> memref<4096xi32, #tpu.memory_space<hbm>>
      %dma_wait3A_179 = arith.constant 0 : i32
      %dma_wait3A_180 = tpu.memref_slice %arg6[%dma_wait3A_172, %dma_wait3A_179] : memref<2x4096xi32, #tpu.memory_space<vmem>> -> memref<1x4096xi32, #tpu.memory_space<vmem>>
      %dma_wait3A_181 = tpu.memref_squeeze %dma_wait3A_180 : memref<1x4096xi32, #tpu.memory_space<vmem>> -> memref<4096xi32, #tpu.memory_space<vmem>>
      %dma_wait3A_182 = arith.constant 0 : i32
      %dma_wait3A_183 = tpu.memref_slice %arg3[%add3A_158, %dma_wait3A_182] : memref<26x4096xi32, #tpu.memory_space<hbm>> -> memref<1x4096xi32, #tpu.memory_space<hbm>>
      %dma_wait3A_184 = tpu.memref_squeeze %dma_wait3A_183 : memref<1x4096xi32, #tpu.memory_space<hbm>> -> memref<4096xi32, #tpu.memory_space<hbm>>
      tpu.wait_dma2 semaphore(%arg10 : memref<!tpu.dma_semaphore, #tpu.memory_space<semaphore_mem>>) src(%dma_wait3A_184 : memref<4096xi32, #tpu.memory_space<hbm>>) dst(%dma_wait3A_181 : memref<4096xi32, #tpu.memory_space<vmem>>)
      %add3A_185 = arith.constant 1 : i32
      %add3A_186 = arith.addi %add3A_158, %add3A_185 : i32
      %lt3A_187 = arith.constant 26 : i32
      %lt3A_188 = arith.cmpi slt, %add3A_186, %lt3A_187 : i32
      %convert_element_type3A_189 = arith.extui %lt3A_188 : i1 to i32
      %cond3A_190 = arith.constant 0 : i32
      %cond3A_191 = arith.cmpi ne, %convert_element_type3A_189, %cond3A_190 : i32
      scf.if %cond3A_191 {
        %add3A_255 = arith.constant 1 : i32
        %add3A_256 = arith.addi %add3A_158, %add3A_255 : i32
        %dma_start3A_257 = arith.constant 0 : i32
        %dma_start3A_258 = arith.constant 0 : i32
        %dma_start3A_259 = tpu.memref_slice %arg6[%dma_start3A_257, %dma_start3A_258] : memref<2x4096xi32, #tpu.memory_space<vmem>> -> memref<1x4096xi32, #tpu.memory_space<vmem>>
        %dma_start3A_260 = tpu.memref_squeeze %dma_start3A_259 : memref<1x4096xi32, #tpu.memory_space<vmem>> -> memref<4096xi32, #tpu.memory_space<vmem>>
        %dma_start3A_261 = arith.constant 0 : i32
        %dma_start3A_262 = tpu.memref_slice %arg3[%add3A_256, %dma_start3A_261] : memref<26x4096xi32, #tpu.memory_space<hbm>> -> memref<1x4096xi32, #tpu.memory_space<hbm>>
        %dma_start3A_263 = tpu.memref_squeeze %dma_start3A_262 : memref<1x4096xi32, #tpu.memory_space<hbm>> -> memref<4096xi32, #tpu.memory_space<hbm>>
        %dma_start3A_264 = arith.constant 0 : i32
        %dma_start3A_265 = tpu.memref_slice %arg6[%dma_start3A_257, %dma_start3A_264] : memref<2x4096xi32, #tpu.memory_space<vmem>> -> memref<1x4096xi32, #tpu.memory_space<vmem>>
        %dma_start3A_266 = tpu.memref_squeeze %dma_start3A_265 : memref<1x4096xi32, #tpu.memory_space<vmem>> -> memref<4096xi32, #tpu.memory_space<vmem>>
        %dma_start3A_267 = arith.constant 0 : i32
        %dma_start3A_268 = tpu.memref_slice %arg3[%add3A_256, %dma_start3A_267] : memref<26x4096xi32, #tpu.memory_space<hbm>> -> memref<1x4096xi32, #tpu.memory_space<hbm>>
        %dma_start3A_269 = tpu.memref_squeeze %dma_start3A_268 : memref<1x4096xi32, #tpu.memory_space<hbm>> -> memref<4096xi32, #tpu.memory_space<hbm>>
        tpu.enqueue_dma source(%dma_start3A_269 : memref<4096xi32, #tpu.memory_space<hbm>>) target(%dma_start3A_266 : memref<4096xi32, #tpu.memory_space<vmem>>) target_semaphore(%arg10 : memref<!tpu.dma_semaphore, #tpu.memory_space<semaphore_mem>>)
      } else {
      }
      %ge3A_192 = arith.constant 2 : i32
      %ge3A_193 = arith.cmpi sge, %add3A_158, %ge3A_192 : i32
      %convert_element_type3A_194 = arith.extui %ge3A_193 : i1 to i32
      %cond3A_195 = arith.constant 0 : i32
      %cond3A_196 = arith.cmpi ne, %convert_element_type3A_194, %cond3A_195 : i32
      scf.if %cond3A_196 {
        %sub3A = arith.constant 2 : i32
        %sub3A_255 = arith.subi %add3A_158, %sub3A : i32
        %dma_wait3A_256 = arith.constant 1 : i32
        %dma_wait3A_257 = arith.constant 0 : i32
        %dma_wait3A_258 = tpu.memref_slice %arg7[%dma_wait3A_256, %dma_wait3A_257] : memref<2x4096xf32, #tpu.memory_space<vmem>> -> memref<1x4096xf32, #tpu.memory_space<vmem>>
        %dma_wait3A_259 = tpu.memref_squeeze %dma_wait3A_258 : memref<1x4096xf32, #tpu.memory_space<vmem>> -> memref<4096xf32, #tpu.memory_space<vmem>>
        %dma_wait3A_260 = arith.constant 0 : i32
        %dma_wait3A_261 = tpu.memref_slice %arg4[%sub3A_255, %add3A, %dma_wait3A_260] : memref<26x32x4096xf32, #tpu.memory_space<hbm>> -> memref<1x1x4096xf32, #tpu.memory_space<hbm>>
        %dma_wait3A_262 = tpu.memref_squeeze %dma_wait3A_261 : memref<1x1x4096xf32, #tpu.memory_space<hbm>> -> memref<4096xf32, #tpu.memory_space<hbm>>
        %dma_wait3A_263 = arith.constant 0 : i32
        %dma_wait3A_264 = tpu.memref_slice %arg4[%sub3A_255, %add3A, %dma_wait3A_263] : memref<26x32x4096xf32, #tpu.memory_space<hbm>> -> memref<1x1x4096xf32, #tpu.memory_space<hbm>>
        %dma_wait3A_265 = tpu.memref_squeeze %dma_wait3A_264 : memref<1x1x4096xf32, #tpu.memory_space<hbm>> -> memref<4096xf32, #tpu.memory_space<hbm>>
        %dma_wait3A_266 = arith.constant 0 : i32
        %dma_wait3A_267 = tpu.memref_slice %arg7[%dma_wait3A_256, %dma_wait3A_266] : memref<2x4096xf32, #tpu.memory_space<vmem>> -> memref<1x4096xf32, #tpu.memory_space<vmem>>
        %dma_wait3A_268 = tpu.memref_squeeze %dma_wait3A_267 : memref<1x4096xf32, #tpu.memory_space<vmem>> -> memref<4096xf32, #tpu.memory_space<vmem>>
        tpu.wait_dma2 semaphore(%arg12 : memref<!tpu.dma_semaphore, #tpu.memory_space<semaphore_mem>>) src(%dma_wait3A_268 : memref<4096xf32, #tpu.memory_space<vmem>>) dst(%dma_wait3A_265 : memref<4096xf32, #tpu.memory_space<hbm>>)
      } else {
      }
      %dma_wait3A_197 = arith.constant 0 : i32
      %dma_wait3A_198 = arith.constant 0 : i32
      %dma_wait3A_199 = tpu.memref_slice %arg5[%dma_wait3A_197, %dma_wait3A_198] : memref<2x50000xf32, #tpu.memory_space<vmem>> -> memref<1x50000xf32, #tpu.memory_space<vmem>>
      %dma_wait3A_200 = tpu.memref_squeeze %dma_wait3A_199 : memref<1x50000xf32, #tpu.memory_space<vmem>> -> memref<50000xf32, #tpu.memory_space<vmem>>
      %dma_wait3A_201 = arith.constant 0 : i32
      %dma_wait3A_202 = tpu.memref_slice %arg2[%add3A_158, %add3A, %dma_wait3A_201] : memref<26x32x100000xf32, #tpu.memory_space<hbm>> -> memref<1x1x50000xf32, #tpu.memory_space<hbm>>
      %dma_wait3A_203 = tpu.memref_squeeze %dma_wait3A_202 : memref<1x1x50000xf32, #tpu.memory_space<hbm>> -> memref<50000xf32, #tpu.memory_space<hbm>>
      %dma_wait3A_204 = arith.constant 0 : i32
      %dma_wait3A_205 = tpu.memref_slice %arg5[%dma_wait3A_197, %dma_wait3A_204] : memref<2x50000xf32, #tpu.memory_space<vmem>> -> memref<1x50000xf32, #tpu.memory_space<vmem>>
      %dma_wait3A_206 = tpu.memref_squeeze %dma_wait3A_205 : memref<1x50000xf32, #tpu.memory_space<vmem>> -> memref<50000xf32, #tpu.memory_space<vmem>>
      %dma_wait3A_207 = arith.constant 0 : i32
      %dma_wait3A_208 = tpu.memref_slice %arg2[%add3A_158, %add3A, %dma_wait3A_207] : memref<26x32x100000xf32, #tpu.memory_space<hbm>> -> memref<1x1x50000xf32, #tpu.memory_space<hbm>>
      %dma_wait3A_209 = tpu.memref_squeeze %dma_wait3A_208 : memref<1x1x50000xf32, #tpu.memory_space<hbm>> -> memref<50000xf32, #tpu.memory_space<hbm>>
      tpu.wait_dma2 semaphore(%arg8 : memref<!tpu.dma_semaphore, #tpu.memory_space<semaphore_mem>>) src(%dma_wait3A_209 : memref<50000xf32, #tpu.memory_space<hbm>>) dst(%dma_wait3A_206 : memref<50000xf32, #tpu.memory_space<vmem>>)
      %scan3A_210 = arith.constant 0 : i32
      %scan3A_211 = arith.constant 0 : i32
      %scan3A_212 = arith.constant 256 : i32
      %scan3A_213 = arith.addi %scan3A_211, %scan3A_212 : i32
      %scan3A_214 = arith.constant 8 : i32
      scf.for %scan3A_255 = %scan3A_211 to %scan3A_213 step %scan3A_214  : i32 {
        %mul3A_256 = arith.constant 16 : i32
        %mul3A_257 = arith.muli %scan3A_255, %mul3A_256 : i32
        %get3A = arith.constant 1 : i32
        %get3A_258 = arith.index_cast %get3A : i32 to index
        %get3A_259 = arith.index_cast %mul3A_257 : i32 to index
        %get3A_260 = tpu.vector_load %arg6[%get3A_258, %get3A_259] {strides = array<i32>} : memref<2x4096xi32, #tpu.memory_space<vmem>>, vector<16xi32>,
        %sub3A = arith.constant 0 : i32
        %sub3A_261 = vector.broadcast %sub3A : i32 to vector<16xi32>
        %sub3A_262 = arith.subi %get3A_260, %sub3A_261 : vector<16xi32>
        %lt3A_263 = arith.constant 50000 : i32
        %lt3A_264 = vector.broadcast %lt3A_263 : i32 to vector<16xi32>
        %lt3A_265 = arith.cmpi slt, %get3A_260, %lt3A_264 : vector<16xi32>
        %gather3A = arith.constant 0 : i32
        %gather3A_266 = arith.constant 0 : i32
        %gather3A_267 = tpu.memref_slice %arg5[%gather3A, %gather3A_266] : memref<2x50000xf32, #tpu.memory_space<vmem>> -> memref<1x50000xf32, #tpu.memory_space<vmem>>
        %gather3A_268 = tpu.memref_squeeze %gather3A_267 : memref<1x50000xf32, #tpu.memory_space<vmem>> -> memref<50000xf32, #tpu.memory_space<vmem>>
        %gather3A_269 = tpu.vector_load_idx %gather3A_268[%sub3A_262] masked %lt3A_265 : memref<50000xf32, #tpu.memory_space<vmem>>[vector<16xi32>], vector<16xf32>, vector<16xi1>
        %swap3A = arith.constant 1 : i32
        %swap3A_270 = arith.index_cast %swap3A : i32 to index
        %swap3A_271 = arith.index_cast %mul3A_257 : i32 to index
        %swap3A_272 = tpu.vector_load %arg7[%swap3A_270, %swap3A_271] {strides = array<i32>} : memref<2x4096xf32, #tpu.memory_space<vmem>>, vector<16xf32>,
        tpu.vector_store %arg7[%swap3A_270, %swap3A_271], %gather3A_269 {strides = array<i32>} : memref<2x4096xf32, #tpu.memory_space<vmem>>, vector<16xf32>,
        %scan3A_273 = arith.constant 1 : i32
        %scan3A_274 = arith.addi %scan3A_255, %scan3A_273 : i32
        %mul3A_275 = arith.constant 16 : i32
        %mul3A_276 = arith.muli %scan3A_274, %mul3A_275 : i32
        %get3A_277 = arith.constant 1 : i32
        %get3A_278 = arith.index_cast %get3A_277 : i32 to index
        %get3A_279 = arith.index_cast %mul3A_276 : i32 to index
        %get3A_280 = tpu.vector_load %arg6[%get3A_278, %get3A_279] {strides = array<i32>} : memref<2x4096xi32, #tpu.memory_space<vmem>>, vector<16xi32>,
        %sub3A_281 = arith.constant 0 : i32
        %sub3A_282 = vector.broadcast %sub3A_281 : i32 to vector<16xi32>
        %sub3A_283 = arith.subi %get3A_280, %sub3A_282 : vector<16xi32>
        %lt3A_284 = arith.constant 50000 : i32
        %lt3A_285 = vector.broadcast %lt3A_284 : i32 to vector<16xi32>
        %lt3A_286 = arith.cmpi slt, %get3A_280, %lt3A_285 : vector<16xi32>
        %gather3A_287 = arith.constant 0 : i32
        %gather3A_288 = arith.constant 0 : i32
        %gather3A_289 = tpu.memref_slice %arg5[%gather3A_287, %gather3A_288] : memref<2x50000xf32, #tpu.memory_space<vmem>> -> memref<1x50000xf32, #tpu.memory_space<vmem>>
        %gather3A_290 = tpu.memref_squeeze %gather3A_289 : memref<1x50000xf32, #tpu.memory_space<vmem>> -> memref<50000xf32, #tpu.memory_space<vmem>>
        %gather3A_291 = tpu.vector_load_idx %gather3A_290[%sub3A_283] masked %lt3A_286 : memref<50000xf32, #tpu.memory_space<vmem>>[vector<16xi32>], vector<16xf32>, vector<16xi1>
        %swap3A_292 = arith.constant 1 : i32
        %swap3A_293 = arith.index_cast %swap3A_292 : i32 to index
        %swap3A_294 = arith.index_cast %mul3A_276 : i32 to index
        %swap3A_295 = tpu.vector_load %arg7[%swap3A_293, %swap3A_294] {strides = array<i32>} : memref<2x4096xf32, #tpu.memory_space<vmem>>, vector<16xf32>,
        tpu.vector_store %arg7[%swap3A_293, %swap3A_294], %gather3A_291 {strides = array<i32>} : memref<2x4096xf32, #tpu.memory_space<vmem>>, vector<16xf32>,
        %scan3A_296 = arith.constant 2 : i32
        %scan3A_297 = arith.addi %scan3A_255, %scan3A_296 : i32
        %mul3A_298 = arith.constant 16 : i32
        %mul3A_299 = arith.muli %scan3A_297, %mul3A_298 : i32
        %get3A_300 = arith.constant 1 : i32
        %get3A_301 = arith.index_cast %get3A_300 : i32 to index
        %get3A_302 = arith.index_cast %mul3A_299 : i32 to index
        %get3A_303 = tpu.vector_load %arg6[%get3A_301, %get3A_302] {strides = array<i32>} : memref<2x4096xi32, #tpu.memory_space<vmem>>, vector<16xi32>,
        %sub3A_304 = arith.constant 0 : i32
        %sub3A_305 = vector.broadcast %sub3A_304 : i32 to vector<16xi32>
        %sub3A_306 = arith.subi %get3A_303, %sub3A_305 : vector<16xi32>
        %lt3A_307 = arith.constant 50000 : i32
        %lt3A_308 = vector.broadcast %lt3A_307 : i32 to vector<16xi32>
        %lt3A_309 = arith.cmpi slt, %get3A_303, %lt3A_308 : vector<16xi32>
        %gather3A_310 = arith.constant 0 : i32
        %gather3A_311 = arith.constant 0 : i32
        %gather3A_312 = tpu.memref_slice %arg5[%gather3A_310, %gather3A_311] : memref<2x50000xf32, #tpu.memory_space<vmem>> -> memref<1x50000xf32, #tpu.memory_space<vmem>>
        %gather3A_313 = tpu.memref_squeeze %gather3A_312 : memref<1x50000xf32, #tpu.memory_space<vmem>> -> memref<50000xf32, #tpu.memory_space<vmem>>
        %gather3A_314 = tpu.vector_load_idx %gather3A_313[%sub3A_306] masked %lt3A_309 : memref<50000xf32, #tpu.memory_space<vmem>>[vector<16xi32>], vector<16xf32>, vector<16xi1>
        %swap3A_315 = arith.constant 1 : i32
        %swap3A_316 = arith.index_cast %swap3A_315 : i32 to index
        %swap3A_317 = arith.index_cast %mul3A_299 : i32 to index
        %swap3A_318 = tpu.vector_load %arg7[%swap3A_316, %swap3A_317] {strides = array<i32>} : memref<2x4096xf32, #tpu.memory_space<vmem>>, vector<16xf32>,
        tpu.vector_store %arg7[%swap3A_316, %swap3A_317], %gather3A_314 {strides = array<i32>} : memref<2x4096xf32, #tpu.memory_space<vmem>>, vector<16xf32>,
        %scan3A_319 = arith.constant 3 : i32
        %scan3A_320 = arith.addi %scan3A_255, %scan3A_319 : i32
        %mul3A_321 = arith.constant 16 : i32
        %mul3A_322 = arith.muli %scan3A_320, %mul3A_321 : i32
        %get3A_323 = arith.constant 1 : i32
        %get3A_324 = arith.index_cast %get3A_323 : i32 to index
        %get3A_325 = arith.index_cast %mul3A_322 : i32 to index
        %get3A_326 = tpu.vector_load %arg6[%get3A_324, %get3A_325] {strides = array<i32>} : memref<2x4096xi32, #tpu.memory_space<vmem>>, vector<16xi32>,
        %sub3A_327 = arith.constant 0 : i32
        %sub3A_328 = vector.broadcast %sub3A_327 : i32 to vector<16xi32>
        %sub3A_329 = arith.subi %get3A_326, %sub3A_328 : vector<16xi32>
        %lt3A_330 = arith.constant 50000 : i32
        %lt3A_331 = vector.broadcast %lt3A_330 : i32 to vector<16xi32>
        %lt3A_332 = arith.cmpi slt, %get3A_326, %lt3A_331 : vector<16xi32>
        %gather3A_333 = arith.constant 0 : i32
        %gather3A_334 = arith.constant 0 : i32
        %gather3A_335 = tpu.memref_slice %arg5[%gather3A_333, %gather3A_334] : memref<2x50000xf32, #tpu.memory_space<vmem>> -> memref<1x50000xf32, #tpu.memory_space<vmem>>
        %gather3A_336 = tpu.memref_squeeze %gather3A_335 : memref<1x50000xf32, #tpu.memory_space<vmem>> -> memref<50000xf32, #tpu.memory_space<vmem>>
        %gather3A_337 = tpu.vector_load_idx %gather3A_336[%sub3A_329] masked %lt3A_332 : memref<50000xf32, #tpu.memory_space<vmem>>[vector<16xi32>], vector<16xf32>, vector<16xi1>
        %swap3A_338 = arith.constant 1 : i32
        %swap3A_339 = arith.index_cast %swap3A_338 : i32 to index
        %swap3A_340 = arith.index_cast %mul3A_322 : i32 to index
        %swap3A_341 = tpu.vector_load %arg7[%swap3A_339, %swap3A_340] {strides = array<i32>} : memref<2x4096xf32, #tpu.memory_space<vmem>>, vector<16xf32>,
        tpu.vector_store %arg7[%swap3A_339, %swap3A_340], %gather3A_337 {strides = array<i32>} : memref<2x4096xf32, #tpu.memory_space<vmem>>, vector<16xf32>,
        %scan3A_342 = arith.constant 4 : i32
        %scan3A_343 = arith.addi %scan3A_255, %scan3A_342 : i32
        %mul3A_344 = arith.constant 16 : i32
        %mul3A_345 = arith.muli %scan3A_343, %mul3A_344 : i32
        %get3A_346 = arith.constant 1 : i32
        %get3A_347 = arith.index_cast %get3A_346 : i32 to index
        %get3A_348 = arith.index_cast %mul3A_345 : i32 to index
        %get3A_349 = tpu.vector_load %arg6[%get3A_347, %get3A_348] {strides = array<i32>} : memref<2x4096xi32, #tpu.memory_space<vmem>>, vector<16xi32>,
        %sub3A_350 = arith.constant 0 : i32
        %sub3A_351 = vector.broadcast %sub3A_350 : i32 to vector<16xi32>
        %sub3A_352 = arith.subi %get3A_349, %sub3A_351 : vector<16xi32>
        %lt3A_353 = arith.constant 50000 : i32
        %lt3A_354 = vector.broadcast %lt3A_353 : i32 to vector<16xi32>
        %lt3A_355 = arith.cmpi slt, %get3A_349, %lt3A_354 : vector<16xi32>
        %gather3A_356 = arith.constant 0 : i32
        %gather3A_357 = arith.constant 0 : i32
        %gather3A_358 = tpu.memref_slice %arg5[%gather3A_356, %gather3A_357] : memref<2x50000xf32, #tpu.memory_space<vmem>> -> memref<1x50000xf32, #tpu.memory_space<vmem>>
        %gather3A_359 = tpu.memref_squeeze %gather3A_358 : memref<1x50000xf32, #tpu.memory_space<vmem>> -> memref<50000xf32, #tpu.memory_space<vmem>>
        %gather3A_360 = tpu.vector_load_idx %gather3A_359[%sub3A_352] masked %lt3A_355 : memref<50000xf32, #tpu.memory_space<vmem>>[vector<16xi32>], vector<16xf32>, vector<16xi1>
        %swap3A_361 = arith.constant 1 : i32
        %swap3A_362 = arith.index_cast %swap3A_361 : i32 to index
        %swap3A_363 = arith.index_cast %mul3A_345 : i32 to index
        %swap3A_364 = tpu.vector_load %arg7[%swap3A_362, %swap3A_363] {strides = array<i32>} : memref<2x4096xf32, #tpu.memory_space<vmem>>, vector<16xf32>,
        tpu.vector_store %arg7[%swap3A_362, %swap3A_363], %gather3A_360 {strides = array<i32>} : memref<2x4096xf32, #tpu.memory_space<vmem>>, vector<16xf32>,
        %scan3A_365 = arith.constant 5 : i32
        %scan3A_366 = arith.addi %scan3A_255, %scan3A_365 : i32
        %mul3A_367 = arith.constant 16 : i32
        %mul3A_368 = arith.muli %scan3A_366, %mul3A_367 : i32
        %get3A_369 = arith.constant 1 : i32
        %get3A_370 = arith.index_cast %get3A_369 : i32 to index
        %get3A_371 = arith.index_cast %mul3A_368 : i32 to index
        %get3A_372 = tpu.vector_load %arg6[%get3A_370, %get3A_371] {strides = array<i32>} : memref<2x4096xi32, #tpu.memory_space<vmem>>, vector<16xi32>,
        %sub3A_373 = arith.constant 0 : i32
        %sub3A_374 = vector.broadcast %sub3A_373 : i32 to vector<16xi32>
        %sub3A_375 = arith.subi %get3A_372, %sub3A_374 : vector<16xi32>
        %lt3A_376 = arith.constant 50000 : i32
        %lt3A_377 = vector.broadcast %lt3A_376 : i32 to vector<16xi32>
        %lt3A_378 = arith.cmpi slt, %get3A_372, %lt3A_377 : vector<16xi32>
        %gather3A_379 = arith.constant 0 : i32
        %gather3A_380 = arith.constant 0 : i32
        %gather3A_381 = tpu.memref_slice %arg5[%gather3A_379, %gather3A_380] : memref<2x50000xf32, #tpu.memory_space<vmem>> -> memref<1x50000xf32, #tpu.memory_space<vmem>>
        %gather3A_382 = tpu.memref_squeeze %gather3A_381 : memref<1x50000xf32, #tpu.memory_space<vmem>> -> memref<50000xf32, #tpu.memory_space<vmem>>
        %gather3A_383 = tpu.vector_load_idx %gather3A_382[%sub3A_375] masked %lt3A_378 : memref<50000xf32, #tpu.memory_space<vmem>>[vector<16xi32>], vector<16xf32>, vector<16xi1>
        %swap3A_384 = arith.constant 1 : i32
        %swap3A_385 = arith.index_cast %swap3A_384 : i32 to index
        %swap3A_386 = arith.index_cast %mul3A_368 : i32 to index
        %swap3A_387 = tpu.vector_load %arg7[%swap3A_385, %swap3A_386] {strides = array<i32>} : memref<2x4096xf32, #tpu.memory_space<vmem>>, vector<16xf32>,
        tpu.vector_store %arg7[%swap3A_385, %swap3A_386], %gather3A_383 {strides = array<i32>} : memref<2x4096xf32, #tpu.memory_space<vmem>>, vector<16xf32>,
        %scan3A_388 = arith.constant 6 : i32
        %scan3A_389 = arith.addi %scan3A_255, %scan3A_388 : i32
        %mul3A_390 = arith.constant 16 : i32
        %mul3A_391 = arith.muli %scan3A_389, %mul3A_390 : i32
        %get3A_392 = arith.constant 1 : i32
        %get3A_393 = arith.index_cast %get3A_392 : i32 to index
        %get3A_394 = arith.index_cast %mul3A_391 : i32 to index
        %get3A_395 = tpu.vector_load %arg6[%get3A_393, %get3A_394] {strides = array<i32>} : memref<2x4096xi32, #tpu.memory_space<vmem>>, vector<16xi32>,
        %sub3A_396 = arith.constant 0 : i32
        %sub3A_397 = vector.broadcast %sub3A_396 : i32 to vector<16xi32>
        %sub3A_398 = arith.subi %get3A_395, %sub3A_397 : vector<16xi32>
        %lt3A_399 = arith.constant 50000 : i32
        %lt3A_400 = vector.broadcast %lt3A_399 : i32 to vector<16xi32>
        %lt3A_401 = arith.cmpi slt, %get3A_395, %lt3A_400 : vector<16xi32>
        %gather3A_402 = arith.constant 0 : i32
        %gather3A_403 = arith.constant 0 : i32
        %gather3A_404 = tpu.memref_slice %arg5[%gather3A_402, %gather3A_403] : memref<2x50000xf32, #tpu.memory_space<vmem>> -> memref<1x50000xf32, #tpu.memory_space<vmem>>
        %gather3A_405 = tpu.memref_squeeze %gather3A_404 : memref<1x50000xf32, #tpu.memory_space<vmem>> -> memref<50000xf32, #tpu.memory_space<vmem>>
        %gather3A_406 = tpu.vector_load_idx %gather3A_405[%sub3A_398] masked %lt3A_401 : memref<50000xf32, #tpu.memory_space<vmem>>[vector<16xi32>], vector<16xf32>, vector<16xi1>
        %swap3A_407 = arith.constant 1 : i32
        %swap3A_408 = arith.index_cast %swap3A_407 : i32 to index
        %swap3A_409 = arith.index_cast %mul3A_391 : i32 to index
        %swap3A_410 = tpu.vector_load %arg7[%swap3A_408, %swap3A_409] {strides = array<i32>} : memref<2x4096xf32, #tpu.memory_space<vmem>>, vector<16xf32>,
        tpu.vector_store %arg7[%swap3A_408, %swap3A_409], %gather3A_406 {strides = array<i32>} : memref<2x4096xf32, #tpu.memory_space<vmem>>, vector<16xf32>,
        %scan3A_411 = arith.constant 7 : i32
        %scan3A_412 = arith.addi %scan3A_255, %scan3A_411 : i32
        %mul3A_413 = arith.constant 16 : i32
        %mul3A_414 = arith.muli %scan3A_412, %mul3A_413 : i32
        %get3A_415 = arith.constant 1 : i32
        %get3A_416 = arith.index_cast %get3A_415 : i32 to index
        %get3A_417 = arith.index_cast %mul3A_414 : i32 to index
        %get3A_418 = tpu.vector_load %arg6[%get3A_416, %get3A_417] {strides = array<i32>} : memref<2x4096xi32, #tpu.memory_space<vmem>>, vector<16xi32>,
        %sub3A_419 = arith.constant 0 : i32
        %sub3A_420 = vector.broadcast %sub3A_419 : i32 to vector<16xi32>
        %sub3A_421 = arith.subi %get3A_418, %sub3A_420 : vector<16xi32>
        %lt3A_422 = arith.constant 50000 : i32
        %lt3A_423 = vector.broadcast %lt3A_422 : i32 to vector<16xi32>
        %lt3A_424 = arith.cmpi slt, %get3A_418, %lt3A_423 : vector<16xi32>
        %gather3A_425 = arith.constant 0 : i32
        %gather3A_426 = arith.constant 0 : i32
        %gather3A_427 = tpu.memref_slice %arg5[%gather3A_425, %gather3A_426] : memref<2x50000xf32, #tpu.memory_space<vmem>> -> memref<1x50000xf32, #tpu.memory_space<vmem>>
        %gather3A_428 = tpu.memref_squeeze %gather3A_427 : memref<1x50000xf32, #tpu.memory_space<vmem>> -> memref<50000xf32, #tpu.memory_space<vmem>>
        %gather3A_429 = tpu.vector_load_idx %gather3A_428[%sub3A_421] masked %lt3A_424 : memref<50000xf32, #tpu.memory_space<vmem>>[vector<16xi32>], vector<16xf32>, vector<16xi1>
        %swap3A_430 = arith.constant 1 : i32
        %swap3A_431 = arith.index_cast %swap3A_430 : i32 to index
        %swap3A_432 = arith.index_cast %mul3A_414 : i32 to index
        %swap3A_433 = tpu.vector_load %arg7[%swap3A_431, %swap3A_432] {strides = array<i32>} : memref<2x4096xf32, #tpu.memory_space<vmem>>, vector<16xf32>,
        tpu.vector_store %arg7[%swap3A_431, %swap3A_432], %gather3A_429 {strides = array<i32>} : memref<2x4096xf32, #tpu.memory_space<vmem>>, vector<16xf32>,
      }
      %scan3A_215 = arith.constant 256 : i32
      %add3A_216 = arith.constant 1 : i32
      %add3A_217 = arith.addi %add3A_158, %add3A_216 : i32
      %lt3A_218 = arith.constant 26 : i32
      %lt3A_219 = arith.cmpi slt, %add3A_217, %lt3A_218 : i32
      %convert_element_type3A_220 = arith.extui %lt3A_219 : i1 to i32
      %cond3A_221 = arith.constant 0 : i32
      %cond3A_222 = arith.cmpi ne, %convert_element_type3A_220, %cond3A_221 : i32
      scf.if %cond3A_222 {
        %add3A_255 = arith.constant 1 : i32
        %add3A_256 = arith.addi %add3A_158, %add3A_255 : i32
        %dma_start3A_257 = arith.constant 0 : i32
        %dma_start3A_258 = arith.constant 0 : i32
        %dma_start3A_259 = tpu.memref_slice %arg5[%dma_start3A_257, %dma_start3A_258] : memref<2x50000xf32, #tpu.memory_space<vmem>> -> memref<1x50000xf32, #tpu.memory_space<vmem>>
        %dma_start3A_260 = tpu.memref_squeeze %dma_start3A_259 : memref<1x50000xf32, #tpu.memory_space<vmem>> -> memref<50000xf32, #tpu.memory_space<vmem>>
        %dma_start3A_261 = arith.constant 0 : i32
        %dma_start3A_262 = tpu.memref_slice %arg2[%add3A_256, %add3A, %dma_start3A_261] : memref<26x32x100000xf32, #tpu.memory_space<hbm>> -> memref<1x1x50000xf32, #tpu.memory_space<hbm>>
        %dma_start3A_263 = tpu.memref_squeeze %dma_start3A_262 : memref<1x1x50000xf32, #tpu.memory_space<hbm>> -> memref<50000xf32, #tpu.memory_space<hbm>>
        %dma_start3A_264 = arith.constant 0 : i32
        %dma_start3A_265 = tpu.memref_slice %arg5[%dma_start3A_257, %dma_start3A_264] : memref<2x50000xf32, #tpu.memory_space<vmem>> -> memref<1x50000xf32, #tpu.memory_space<vmem>>
        %dma_start3A_266 = tpu.memref_squeeze %dma_start3A_265 : memref<1x50000xf32, #tpu.memory_space<vmem>> -> memref<50000xf32, #tpu.memory_space<vmem>>
        %dma_start3A_267 = arith.constant 0 : i32
        %dma_start3A_268 = tpu.memref_slice %arg2[%add3A_256, %add3A, %dma_start3A_267] : memref<26x32x100000xf32, #tpu.memory_space<hbm>> -> memref<1x1x50000xf32, #tpu.memory_space<hbm>>
        %dma_start3A_269 = tpu.memref_squeeze %dma_start3A_268 : memref<1x1x50000xf32, #tpu.memory_space<hbm>> -> memref<50000xf32, #tpu.memory_space<hbm>>
        tpu.enqueue_dma source(%dma_start3A_269 : memref<50000xf32, #tpu.memory_space<hbm>>) target(%dma_start3A_266 : memref<50000xf32, #tpu.memory_space<vmem>>) target_semaphore(%arg8 : memref<!tpu.dma_semaphore, #tpu.memory_space<semaphore_mem>>)
      } else {
      }
      %dma_wait3A_223 = arith.constant 1 : i32
      %dma_wait3A_224 = arith.constant 0 : i32
      %dma_wait3A_225 = tpu.memref_slice %arg5[%dma_wait3A_223, %dma_wait3A_224] : memref<2x50000xf32, #tpu.memory_space<vmem>> -> memref<1x50000xf32, #tpu.memory_space<vmem>>
      %dma_wait3A_226 = tpu.memref_squeeze %dma_wait3A_225 : memref<1x50000xf32, #tpu.memory_space<vmem>> -> memref<50000xf32, #tpu.memory_space<vmem>>
      %dma_wait3A_227 = arith.constant 50000 : i32
      %dma_wait3A_228 = tpu.memref_slice %arg2[%add3A_158, %add3A, %dma_wait3A_227] : memref<26x32x100000xf32, #tpu.memory_space<hbm>> -> memref<1x1x50000xf32, #tpu.memory_space<hbm>>
      %dma_wait3A_229 = tpu.memref_squeeze %dma_wait3A_228 : memref<1x1x50000xf32, #tpu.memory_space<hbm>> -> memref<50000xf32, #tpu.memory_space<hbm>>
      %dma_wait3A_230 = arith.constant 0 : i32
      %dma_wait3A_231 = tpu.memref_slice %arg5[%dma_wait3A_223, %dma_wait3A_230] : memref<2x50000xf32, #tpu.memory_space<vmem>> -> memref<1x50000xf32, #tpu.memory_space<vmem>>
      %dma_wait3A_232 = tpu.memref_squeeze %dma_wait3A_231 : memref<1x50000xf32, #tpu.memory_space<vmem>> -> memref<50000xf32, #tpu.memory_space<vmem>>
      %dma_wait3A_233 = arith.constant 50000 : i32
      %dma_wait3A_234 = tpu.memref_slice %arg2[%add3A_158, %add3A, %dma_wait3A_233] : memref<26x32x100000xf32, #tpu.memory_space<hbm>> -> memref<1x1x50000xf32, #tpu.memory_space<hbm>>
      %dma_wait3A_235 = tpu.memref_squeeze %dma_wait3A_234 : memref<1x1x50000xf32, #tpu.memory_space<hbm>> -> memref<50000xf32, #tpu.memory_space<hbm>>
      tpu.wait_dma2 semaphore(%arg9 : memref<!tpu.dma_semaphore, #tpu.memory_space<semaphore_mem>>) src(%dma_wait3A_235 : memref<50000xf32, #tpu.memory_space<hbm>>) dst(%dma_wait3A_232 : memref<50000xf32, #tpu.memory_space<vmem>>)
      %scan3A_236 = arith.constant 0 : i32
      %scan3A_237 = arith.constant 0 : i32
      %scan3A_238 = arith.constant 256 : i32
      %scan3A_239 = arith.addi %scan3A_237, %scan3A_238 : i32
      %scan3A_240 = arith.constant 8 : i32
      scf.for %scan3A_255 = %scan3A_237 to %scan3A_239 step %scan3A_240  : i32 {
        %mul3A_256 = arith.constant 16 : i32
        %mul3A_257 = arith.muli %scan3A_255, %mul3A_256 : i32
        %get3A = arith.constant 1 : i32
        %get3A_258 = arith.index_cast %get3A : i32 to index
        %get3A_259 = arith.index_cast %mul3A_257 : i32 to index
        %get3A_260 = tpu.vector_load %arg6[%get3A_258, %get3A_259] {strides = array<i32>} : memref<2x4096xi32, #tpu.memory_space<vmem>>, vector<16xi32>,
        %sub3A = arith.constant 50000 : i32
        %sub3A_261 = vector.broadcast %sub3A : i32 to vector<16xi32>
        %sub3A_262 = arith.subi %get3A_260, %sub3A_261 : vector<16xi32>
        %ge3A_263 = arith.constant 50000 : i32
        %ge3A_264 = vector.broadcast %ge3A_263 : i32 to vector<16xi32>
        %ge3A_265 = arith.cmpi sge, %get3A_260, %ge3A_264 : vector<16xi32>
        %gather3A = arith.constant 1 : i32
        %gather3A_266 = arith.constant 0 : i32
        %gather3A_267 = tpu.memref_slice %arg5[%gather3A, %gather3A_266] : memref<2x50000xf32, #tpu.memory_space<vmem>> -> memref<1x50000xf32, #tpu.memory_space<vmem>>
        %gather3A_268 = tpu.memref_squeeze %gather3A_267 : memref<1x50000xf32, #tpu.memory_space<vmem>> -> memref<50000xf32, #tpu.memory_space<vmem>>
        %gather3A_269 = tpu.vector_load_idx %gather3A_268[%sub3A_262] masked %ge3A_265 : memref<50000xf32, #tpu.memory_space<vmem>>[vector<16xi32>], vector<16xf32>, vector<16xi1>
        %get3A_270 = arith.constant 1 : i32
        %get3A_271 = arith.index_cast %get3A_270 : i32 to index
        %get3A_272 = arith.index_cast %mul3A_257 : i32 to index
        %get3A_273 = tpu.vector_load %arg7[%get3A_271, %get3A_272] {strides = array<i32>} : memref<2x4096xf32, #tpu.memory_space<vmem>>, vector<16xf32>,
        %select_n3A = arith.select %ge3A_265, %gather3A_269, %get3A_273 : vector<16xi1>, vector<16xf32>
        %swap3A = arith.constant 1 : i32
        %swap3A_274 = arith.index_cast %swap3A : i32 to index
        %swap3A_275 = arith.index_cast %mul3A_257 : i32 to index
        %swap3A_276 = tpu.vector_load %arg7[%swap3A_274, %swap3A_275] {strides = array<i32>} : memref<2x4096xf32, #tpu.memory_space<vmem>>, vector<16xf32>,
        tpu.vector_store %arg7[%swap3A_274, %swap3A_275], %select_n3A {strides = array<i32>} : memref<2x4096xf32, #tpu.memory_space<vmem>>, vector<16xf32>,
        %scan3A_277 = arith.constant 1 : i32
        %scan3A_278 = arith.addi %scan3A_255, %scan3A_277 : i32
        %mul3A_279 = arith.constant 16 : i32
        %mul3A_280 = arith.muli %scan3A_278, %mul3A_279 : i32
        %get3A_281 = arith.constant 1 : i32
        %get3A_282 = arith.index_cast %get3A_281 : i32 to index
        %get3A_283 = arith.index_cast %mul3A_280 : i32 to index
        %get3A_284 = tpu.vector_load %arg6[%get3A_282, %get3A_283] {strides = array<i32>} : memref<2x4096xi32, #tpu.memory_space<vmem>>, vector<16xi32>,
        %sub3A_285 = arith.constant 50000 : i32
        %sub3A_286 = vector.broadcast %sub3A_285 : i32 to vector<16xi32>
        %sub3A_287 = arith.subi %get3A_284, %sub3A_286 : vector<16xi32>
        %ge3A_288 = arith.constant 50000 : i32
        %ge3A_289 = vector.broadcast %ge3A_288 : i32 to vector<16xi32>
        %ge3A_290 = arith.cmpi sge, %get3A_284, %ge3A_289 : vector<16xi32>
        %gather3A_291 = arith.constant 1 : i32
        %gather3A_292 = arith.constant 0 : i32
        %gather3A_293 = tpu.memref_slice %arg5[%gather3A_291, %gather3A_292] : memref<2x50000xf32, #tpu.memory_space<vmem>> -> memref<1x50000xf32, #tpu.memory_space<vmem>>
        %gather3A_294 = tpu.memref_squeeze %gather3A_293 : memref<1x50000xf32, #tpu.memory_space<vmem>> -> memref<50000xf32, #tpu.memory_space<vmem>>
        %gather3A_295 = tpu.vector_load_idx %gather3A_294[%sub3A_287] masked %ge3A_290 : memref<50000xf32, #tpu.memory_space<vmem>>[vector<16xi32>], vector<16xf32>, vector<16xi1>
        %get3A_296 = arith.constant 1 : i32
        %get3A_297 = arith.index_cast %get3A_296 : i32 to index
        %get3A_298 = arith.index_cast %mul3A_280 : i32 to index
        %get3A_299 = tpu.vector_load %arg7[%get3A_297, %get3A_298] {strides = array<i32>} : memref<2x4096xf32, #tpu.memory_space<vmem>>, vector<16xf32>,
        %select_n3A_300 = arith.select %ge3A_290, %gather3A_295, %get3A_299 : vector<16xi1>, vector<16xf32>
        %swap3A_301 = arith.constant 1 : i32
        %swap3A_302 = arith.index_cast %swap3A_301 : i32 to index
        %swap3A_303 = arith.index_cast %mul3A_280 : i32 to index
        %swap3A_304 = tpu.vector_load %arg7[%swap3A_302, %swap3A_303] {strides = array<i32>} : memref<2x4096xf32, #tpu.memory_space<vmem>>, vector<16xf32>,
        tpu.vector_store %arg7[%swap3A_302, %swap3A_303], %select_n3A_300 {strides = array<i32>} : memref<2x4096xf32, #tpu.memory_space<vmem>>, vector<16xf32>,
        %scan3A_305 = arith.constant 2 : i32
        %scan3A_306 = arith.addi %scan3A_255, %scan3A_305 : i32
        %mul3A_307 = arith.constant 16 : i32
        %mul3A_308 = arith.muli %scan3A_306, %mul3A_307 : i32
        %get3A_309 = arith.constant 1 : i32
        %get3A_310 = arith.index_cast %get3A_309 : i32 to index
        %get3A_311 = arith.index_cast %mul3A_308 : i32 to index
        %get3A_312 = tpu.vector_load %arg6[%get3A_310, %get3A_311] {strides = array<i32>} : memref<2x4096xi32, #tpu.memory_space<vmem>>, vector<16xi32>,
        %sub3A_313 = arith.constant 50000 : i32
        %sub3A_314 = vector.broadcast %sub3A_313 : i32 to vector<16xi32>
        %sub3A_315 = arith.subi %get3A_312, %sub3A_314 : vector<16xi32>
        %ge3A_316 = arith.constant 50000 : i32
        %ge3A_317 = vector.broadcast %ge3A_316 : i32 to vector<16xi32>
        %ge3A_318 = arith.cmpi sge, %get3A_312, %ge3A_317 : vector<16xi32>
        %gather3A_319 = arith.constant 1 : i32
        %gather3A_320 = arith.constant 0 : i32
        %gather3A_321 = tpu.memref_slice %arg5[%gather3A_319, %gather3A_320] : memref<2x50000xf32, #tpu.memory_space<vmem>> -> memref<1x50000xf32, #tpu.memory_space<vmem>>
        %gather3A_322 = tpu.memref_squeeze %gather3A_321 : memref<1x50000xf32, #tpu.memory_space<vmem>> -> memref<50000xf32, #tpu.memory_space<vmem>>
        %gather3A_323 = tpu.vector_load_idx %gather3A_322[%sub3A_315] masked %ge3A_318 : memref<50000xf32, #tpu.memory_space<vmem>>[vector<16xi32>], vector<16xf32>, vector<16xi1>
        %get3A_324 = arith.constant 1 : i32
        %get3A_325 = arith.index_cast %get3A_324 : i32 to index
        %get3A_326 = arith.index_cast %mul3A_308 : i32 to index
        %get3A_327 = tpu.vector_load %arg7[%get3A_325, %get3A_326] {strides = array<i32>} : memref<2x4096xf32, #tpu.memory_space<vmem>>, vector<16xf32>,
        %select_n3A_328 = arith.select %ge3A_318, %gather3A_323, %get3A_327 : vector<16xi1>, vector<16xf32>
        %swap3A_329 = arith.constant 1 : i32
        %swap3A_330 = arith.index_cast %swap3A_329 : i32 to index
        %swap3A_331 = arith.index_cast %mul3A_308 : i32 to index
        %swap3A_332 = tpu.vector_load %arg7[%swap3A_330, %swap3A_331] {strides = array<i32>} : memref<2x4096xf32, #tpu.memory_space<vmem>>, vector<16xf32>,
        tpu.vector_store %arg7[%swap3A_330, %swap3A_331], %select_n3A_328 {strides = array<i32>} : memref<2x4096xf32, #tpu.memory_space<vmem>>, vector<16xf32>,
        %scan3A_333 = arith.constant 3 : i32
        %scan3A_334 = arith.addi %scan3A_255, %scan3A_333 : i32
        %mul3A_335 = arith.constant 16 : i32
        %mul3A_336 = arith.muli %scan3A_334, %mul3A_335 : i32
        %get3A_337 = arith.constant 1 : i32
        %get3A_338 = arith.index_cast %get3A_337 : i32 to index
        %get3A_339 = arith.index_cast %mul3A_336 : i32 to index
        %get3A_340 = tpu.vector_load %arg6[%get3A_338, %get3A_339] {strides = array<i32>} : memref<2x4096xi32, #tpu.memory_space<vmem>>, vector<16xi32>,
        %sub3A_341 = arith.constant 50000 : i32
        %sub3A_342 = vector.broadcast %sub3A_341 : i32 to vector<16xi32>
        %sub3A_343 = arith.subi %get3A_340, %sub3A_342 : vector<16xi32>
        %ge3A_344 = arith.constant 50000 : i32
        %ge3A_345 = vector.broadcast %ge3A_344 : i32 to vector<16xi32>
        %ge3A_346 = arith.cmpi sge, %get3A_340, %ge3A_345 : vector<16xi32>
        %gather3A_347 = arith.constant 1 : i32
        %gather3A_348 = arith.constant 0 : i32
        %gather3A_349 = tpu.memref_slice %arg5[%gather3A_347, %gather3A_348] : memref<2x50000xf32, #tpu.memory_space<vmem>> -> memref<1x50000xf32, #tpu.memory_space<vmem>>
        %gather3A_350 = tpu.memref_squeeze %gather3A_349 : memref<1x50000xf32, #tpu.memory_space<vmem>> -> memref<50000xf32, #tpu.memory_space<vmem>>
        %gather3A_351 = tpu.vector_load_idx %gather3A_350[%sub3A_343] masked %ge3A_346 : memref<50000xf32, #tpu.memory_space<vmem>>[vector<16xi32>], vector<16xf32>, vector<16xi1>
        %get3A_352 = arith.constant 1 : i32
        %get3A_353 = arith.index_cast %get3A_352 : i32 to index
        %get3A_354 = arith.index_cast %mul3A_336 : i32 to index
        %get3A_355 = tpu.vector_load %arg7[%get3A_353, %get3A_354] {strides = array<i32>} : memref<2x4096xf32, #tpu.memory_space<vmem>>, vector<16xf32>,
        %select_n3A_356 = arith.select %ge3A_346, %gather3A_351, %get3A_355 : vector<16xi1>, vector<16xf32>
        %swap3A_357 = arith.constant 1 : i32
        %swap3A_358 = arith.index_cast %swap3A_357 : i32 to index
        %swap3A_359 = arith.index_cast %mul3A_336 : i32 to index
        %swap3A_360 = tpu.vector_load %arg7[%swap3A_358, %swap3A_359] {strides = array<i32>} : memref<2x4096xf32, #tpu.memory_space<vmem>>, vector<16xf32>,
        tpu.vector_store %arg7[%swap3A_358, %swap3A_359], %select_n3A_356 {strides = array<i32>} : memref<2x4096xf32, #tpu.memory_space<vmem>>, vector<16xf32>,
        %scan3A_361 = arith.constant 4 : i32
        %scan3A_362 = arith.addi %scan3A_255, %scan3A_361 : i32
        %mul3A_363 = arith.constant 16 : i32
        %mul3A_364 = arith.muli %scan3A_362, %mul3A_363 : i32
        %get3A_365 = arith.constant 1 : i32
        %get3A_366 = arith.index_cast %get3A_365 : i32 to index
        %get3A_367 = arith.index_cast %mul3A_364 : i32 to index
        %get3A_368 = tpu.vector_load %arg6[%get3A_366, %get3A_367] {strides = array<i32>} : memref<2x4096xi32, #tpu.memory_space<vmem>>, vector<16xi32>,
        %sub3A_369 = arith.constant 50000 : i32
        %sub3A_370 = vector.broadcast %sub3A_369 : i32 to vector<16xi32>
        %sub3A_371 = arith.subi %get3A_368, %sub3A_370 : vector<16xi32>
        %ge3A_372 = arith.constant 50000 : i32
        %ge3A_373 = vector.broadcast %ge3A_372 : i32 to vector<16xi32>
        %ge3A_374 = arith.cmpi sge, %get3A_368, %ge3A_373 : vector<16xi32>
        %gather3A_375 = arith.constant 1 : i32
        %gather3A_376 = arith.constant 0 : i32
        %gather3A_377 = tpu.memref_slice %arg5[%gather3A_375, %gather3A_376] : memref<2x50000xf32, #tpu.memory_space<vmem>> -> memref<1x50000xf32, #tpu.memory_space<vmem>>
        %gather3A_378 = tpu.memref_squeeze %gather3A_377 : memref<1x50000xf32, #tpu.memory_space<vmem>> -> memref<50000xf32, #tpu.memory_space<vmem>>
        %gather3A_379 = tpu.vector_load_idx %gather3A_378[%sub3A_371] masked %ge3A_374 : memref<50000xf32, #tpu.memory_space<vmem>>[vector<16xi32>], vector<16xf32>, vector<16xi1>
        %get3A_380 = arith.constant 1 : i32
        %get3A_381 = arith.index_cast %get3A_380 : i32 to index
        %get3A_382 = arith.index_cast %mul3A_364 : i32 to index
        %get3A_383 = tpu.vector_load %arg7[%get3A_381, %get3A_382] {strides = array<i32>} : memref<2x4096xf32, #tpu.memory_space<vmem>>, vector<16xf32>,
        %select_n3A_384 = arith.select %ge3A_374, %gather3A_379, %get3A_383 : vector<16xi1>, vector<16xf32>
        %swap3A_385 = arith.constant 1 : i32
        %swap3A_386 = arith.index_cast %swap3A_385 : i32 to index
        %swap3A_387 = arith.index_cast %mul3A_364 : i32 to index
        %swap3A_388 = tpu.vector_load %arg7[%swap3A_386, %swap3A_387] {strides = array<i32>} : memref<2x4096xf32, #tpu.memory_space<vmem>>, vector<16xf32>,
        tpu.vector_store %arg7[%swap3A_386, %swap3A_387], %select_n3A_384 {strides = array<i32>} : memref<2x4096xf32, #tpu.memory_space<vmem>>, vector<16xf32>,
        %scan3A_389 = arith.constant 5 : i32
        %scan3A_390 = arith.addi %scan3A_255, %scan3A_389 : i32
        %mul3A_391 = arith.constant 16 : i32
        %mul3A_392 = arith.muli %scan3A_390, %mul3A_391 : i32
        %get3A_393 = arith.constant 1 : i32
        %get3A_394 = arith.index_cast %get3A_393 : i32 to index
        %get3A_395 = arith.index_cast %mul3A_392 : i32 to index
        %get3A_396 = tpu.vector_load %arg6[%get3A_394, %get3A_395] {strides = array<i32>} : memref<2x4096xi32, #tpu.memory_space<vmem>>, vector<16xi32>,
        %sub3A_397 = arith.constant 50000 : i32
        %sub3A_398 = vector.broadcast %sub3A_397 : i32 to vector<16xi32>
        %sub3A_399 = arith.subi %get3A_396, %sub3A_398 : vector<16xi32>
        %ge3A_400 = arith.constant 50000 : i32
        %ge3A_401 = vector.broadcast %ge3A_400 : i32 to vector<16xi32>
        %ge3A_402 = arith.cmpi sge, %get3A_396, %ge3A_401 : vector<16xi32>
        %gather3A_403 = arith.constant 1 : i32
        %gather3A_404 = arith.constant 0 : i32
        %gather3A_405 = tpu.memref_slice %arg5[%gather3A_403, %gather3A_404] : memref<2x50000xf32, #tpu.memory_space<vmem>> -> memref<1x50000xf32, #tpu.memory_space<vmem>>
        %gather3A_406 = tpu.memref_squeeze %gather3A_405 : memref<1x50000xf32, #tpu.memory_space<vmem>> -> memref<50000xf32, #tpu.memory_space<vmem>>
        %gather3A_407 = tpu.vector_load_idx %gather3A_406[%sub3A_399] masked %ge3A_402 : memref<50000xf32, #tpu.memory_space<vmem>>[vector<16xi32>], vector<16xf32>, vector<16xi1>
        %get3A_408 = arith.constant 1 : i32
        %get3A_409 = arith.index_cast %get3A_408 : i32 to index
        %get3A_410 = arith.index_cast %mul3A_392 : i32 to index
        %get3A_411 = tpu.vector_load %arg7[%get3A_409, %get3A_410] {strides = array<i32>} : memref<2x4096xf32, #tpu.memory_space<vmem>>, vector<16xf32>,
        %select_n3A_412 = arith.select %ge3A_402, %gather3A_407, %get3A_411 : vector<16xi1>, vector<16xf32>
        %swap3A_413 = arith.constant 1 : i32
        %swap3A_414 = arith.index_cast %swap3A_413 : i32 to index
        %swap3A_415 = arith.index_cast %mul3A_392 : i32 to index
        %swap3A_416 = tpu.vector_load %arg7[%swap3A_414, %swap3A_415] {strides = array<i32>} : memref<2x4096xf32, #tpu.memory_space<vmem>>, vector<16xf32>,
        tpu.vector_store %arg7[%swap3A_414, %swap3A_415], %select_n3A_412 {strides = array<i32>} : memref<2x4096xf32, #tpu.memory_space<vmem>>, vector<16xf32>,
        %scan3A_417 = arith.constant 6 : i32
        %scan3A_418 = arith.addi %scan3A_255, %scan3A_417 : i32
        %mul3A_419 = arith.constant 16 : i32
        %mul3A_420 = arith.muli %scan3A_418, %mul3A_419 : i32
        %get3A_421 = arith.constant 1 : i32
        %get3A_422 = arith.index_cast %get3A_421 : i32 to index
        %get3A_423 = arith.index_cast %mul3A_420 : i32 to index
        %get3A_424 = tpu.vector_load %arg6[%get3A_422, %get3A_423] {strides = array<i32>} : memref<2x4096xi32, #tpu.memory_space<vmem>>, vector<16xi32>,
        %sub3A_425 = arith.constant 50000 : i32
        %sub3A_426 = vector.broadcast %sub3A_425 : i32 to vector<16xi32>
        %sub3A_427 = arith.subi %get3A_424, %sub3A_426 : vector<16xi32>
        %ge3A_428 = arith.constant 50000 : i32
        %ge3A_429 = vector.broadcast %ge3A_428 : i32 to vector<16xi32>
        %ge3A_430 = arith.cmpi sge, %get3A_424, %ge3A_429 : vector<16xi32>
        %gather3A_431 = arith.constant 1 : i32
        %gather3A_432 = arith.constant 0 : i32
        %gather3A_433 = tpu.memref_slice %arg5[%gather3A_431, %gather3A_432] : memref<2x50000xf32, #tpu.memory_space<vmem>> -> memref<1x50000xf32, #tpu.memory_space<vmem>>
        %gather3A_434 = tpu.memref_squeeze %gather3A_433 : memref<1x50000xf32, #tpu.memory_space<vmem>> -> memref<50000xf32, #tpu.memory_space<vmem>>
        %gather3A_435 = tpu.vector_load_idx %gather3A_434[%sub3A_427] masked %ge3A_430 : memref<50000xf32, #tpu.memory_space<vmem>>[vector<16xi32>], vector<16xf32>, vector<16xi1>
        %get3A_436 = arith.constant 1 : i32
        %get3A_437 = arith.index_cast %get3A_436 : i32 to index
        %get3A_438 = arith.index_cast %mul3A_420 : i32 to index
        %get3A_439 = tpu.vector_load %arg7[%get3A_437, %get3A_438] {strides = array<i32>} : memref<2x4096xf32, #tpu.memory_space<vmem>>, vector<16xf32>,
        %select_n3A_440 = arith.select %ge3A_430, %gather3A_435, %get3A_439 : vector<16xi1>, vector<16xf32>
        %swap3A_441 = arith.constant 1 : i32
        %swap3A_442 = arith.index_cast %swap3A_441 : i32 to index
        %swap3A_443 = arith.index_cast %mul3A_420 : i32 to index
        %swap3A_444 = tpu.vector_load %arg7[%swap3A_442, %swap3A_443] {strides = array<i32>} : memref<2x4096xf32, #tpu.memory_space<vmem>>, vector<16xf32>,
        tpu.vector_store %arg7[%swap3A_442, %swap3A_443], %select_n3A_440 {strides = array<i32>} : memref<2x4096xf32, #tpu.memory_space<vmem>>, vector<16xf32>,
        %scan3A_445 = arith.constant 7 : i32
        %scan3A_446 = arith.addi %scan3A_255, %scan3A_445 : i32
        %mul3A_447 = arith.constant 16 : i32
        %mul3A_448 = arith.muli %scan3A_446, %mul3A_447 : i32
        %get3A_449 = arith.constant 1 : i32
        %get3A_450 = arith.index_cast %get3A_449 : i32 to index
        %get3A_451 = arith.index_cast %mul3A_448 : i32 to index
        %get3A_452 = tpu.vector_load %arg6[%get3A_450, %get3A_451] {strides = array<i32>} : memref<2x4096xi32, #tpu.memory_space<vmem>>, vector<16xi32>,
        %sub3A_453 = arith.constant 50000 : i32
        %sub3A_454 = vector.broadcast %sub3A_453 : i32 to vector<16xi32>
        %sub3A_455 = arith.subi %get3A_452, %sub3A_454 : vector<16xi32>
        %ge3A_456 = arith.constant 50000 : i32
        %ge3A_457 = vector.broadcast %ge3A_456 : i32 to vector<16xi32>
        %ge3A_458 = arith.cmpi sge, %get3A_452, %ge3A_457 : vector<16xi32>
        %gather3A_459 = arith.constant 1 : i32
        %gather3A_460 = arith.constant 0 : i32
        %gather3A_461 = tpu.memref_slice %arg5[%gather3A_459, %gather3A_460] : memref<2x50000xf32, #tpu.memory_space<vmem>> -> memref<1x50000xf32, #tpu.memory_space<vmem>>
        %gather3A_462 = tpu.memref_squeeze %gather3A_461 : memref<1x50000xf32, #tpu.memory_space<vmem>> -> memref<50000xf32, #tpu.memory_space<vmem>>
        %gather3A_463 = tpu.vector_load_idx %gather3A_462[%sub3A_455] masked %ge3A_458 : memref<50000xf32, #tpu.memory_space<vmem>>[vector<16xi32>], vector<16xf32>, vector<16xi1>
        %get3A_464 = arith.constant 1 : i32
        %get3A_465 = arith.index_cast %get3A_464 : i32 to index
        %get3A_466 = arith.index_cast %mul3A_448 : i32 to index
        %get3A_467 = tpu.vector_load %arg7[%get3A_465, %get3A_466] {strides = array<i32>} : memref<2x4096xf32, #tpu.memory_space<vmem>>, vector<16xf32>,
        %select_n3A_468 = arith.select %ge3A_458, %gather3A_463, %get3A_467 : vector<16xi1>, vector<16xf32>
        %swap3A_469 = arith.constant 1 : i32
        %swap3A_470 = arith.index_cast %swap3A_469 : i32 to index
        %swap3A_471 = arith.index_cast %mul3A_448 : i32 to index
        %swap3A_472 = tpu.vector_load %arg7[%swap3A_470, %swap3A_471] {strides = array<i32>} : memref<2x4096xf32, #tpu.memory_space<vmem>>, vector<16xf32>,
        tpu.vector_store %arg7[%swap3A_470, %swap3A_471], %select_n3A_468 {strides = array<i32>} : memref<2x4096xf32, #tpu.memory_space<vmem>>, vector<16xf32>,
      }
      %scan3A_241 = arith.constant 256 : i32
      %dma_start3A_242 = arith.constant 1 : i32
      %dma_start3A_243 = arith.constant 0 : i32
      %dma_start3A_244 = tpu.memref_slice %arg7[%dma_start3A_242, %dma_start3A_243] : memref<2x4096xf32, #tpu.memory_space<vmem>> -> memref<1x4096xf32, #tpu.memory_space<vmem>>
      %dma_start3A_245 = tpu.memref_squeeze %dma_start3A_244 : memref<1x4096xf32, #tpu.memory_space<vmem>> -> memref<4096xf32, #tpu.memory_space<vmem>>
      %dma_start3A_246 = arith.constant 0 : i32
      %dma_start3A_247 = tpu.memref_slice %arg4[%add3A_158, %add3A, %dma_start3A_246] : memref<26x32x4096xf32, #tpu.memory_space<hbm>> -> memref<1x1x4096xf32, #tpu.memory_space<hbm>>
      %dma_start3A_248 = tpu.memref_squeeze %dma_start3A_247 : memref<1x1x4096xf32, #tpu.memory_space<hbm>> -> memref<4096xf32, #tpu.memory_space<hbm>>
      %dma_start3A_249 = arith.constant 0 : i32
      %dma_start3A_250 = tpu.memref_slice %arg4[%add3A_158, %add3A, %dma_start3A_249] : memref<26x32x4096xf32, #tpu.memory_space<hbm>> -> memref<1x1x4096xf32, #tpu.memory_space<hbm>>
      %dma_start3A_251 = tpu.memref_squeeze %dma_start3A_250 : memref<1x1x4096xf32, #tpu.memory_space<hbm>> -> memref<4096xf32, #tpu.memory_space<hbm>>
      %dma_start3A_252 = arith.constant 0 : i32
      %dma_start3A_253 = tpu.memref_slice %arg7[%dma_start3A_242, %dma_start3A_252] : memref<2x4096xf32, #tpu.memory_space<vmem>> -> memref<1x4096xf32, #tpu.memory_space<vmem>>
      %dma_start3A_254 = tpu.memref_squeeze %dma_start3A_253 : memref<1x4096xf32, #tpu.memory_space<vmem>> -> memref<4096xf32, #tpu.memory_space<vmem>>
      tpu.enqueue_dma source(%dma_start3A_254 : memref<4096xf32, #tpu.memory_space<vmem>>) target(%dma_start3A_251 : memref<4096xf32, #tpu.memory_space<hbm>>) target_semaphore(%arg12 : memref<!tpu.dma_semaphore, #tpu.memory_space<semaphore_mem>>)
    }
    %scan3A_32 = arith.constant 13 : i32
    %dma_wait3A = arith.constant 0 : i32
    %dma_wait3A_33 = arith.constant 24 : i32
    %dma_wait3A_34 = arith.constant 0 : i32
    %dma_wait3A_35 = tpu.memref_slice %arg7[%dma_wait3A, %dma_wait3A_34] : memref<2x4096xf32, #tpu.memory_space<vmem>> -> memref<1x4096xf32, #tpu.memory_space<vmem>>
    %dma_wait3A_36 = tpu.memref_squeeze %dma_wait3A_35 : memref<1x4096xf32, #tpu.memory_space<vmem>> -> memref<4096xf32, #tpu.memory_space<vmem>>
    %dma_wait3A_37 = arith.constant 0 : i32
    %dma_wait3A_38 = tpu.memref_slice %arg4[%dma_wait3A_33, %add3A, %dma_wait3A_37] : memref<26x32x4096xf32, #tpu.memory_space<hbm>> -> memref<1x1x4096xf32, #tpu.memory_space<hbm>>
    %dma_wait3A_39 = tpu.memref_squeeze %dma_wait3A_38 : memref<1x1x4096xf32, #tpu.memory_space<hbm>> -> memref<4096xf32, #tpu.memory_space<hbm>>
    %dma_wait3A_40 = arith.constant 0 : i32
    %dma_wait3A_41 = tpu.memref_slice %arg4[%dma_wait3A_33, %add3A, %dma_wait3A_40] : memref<26x32x4096xf32, #tpu.memory_space<hbm>> -> memref<1x1x4096xf32, #tpu.memory_space<hbm>>
    %dma_wait3A_42 = tpu.memref_squeeze %dma_wait3A_41 : memref<1x1x4096xf32, #tpu.memory_space<hbm>> -> memref<4096xf32, #tpu.memory_space<hbm>>
    %dma_wait3A_43 = arith.constant 0 : i32
    %dma_wait3A_44 = tpu.memref_slice %arg7[%dma_wait3A, %dma_wait3A_43] : memref<2x4096xf32, #tpu.memory_space<vmem>> -> memref<1x4096xf32, #tpu.memory_space<vmem>>
    %dma_wait3A_45 = tpu.memref_squeeze %dma_wait3A_44 : memref<1x4096xf32, #tpu.memory_space<vmem>> -> memref<4096xf32, #tpu.memory_space<vmem>>
    tpu.wait_dma2 semaphore(%arg11 : memref<!tpu.dma_semaphore, #tpu.memory_space<semaphore_mem>>) src(%dma_wait3A_45 : memref<4096xf32, #tpu.memory_space<vmem>>) dst(%dma_wait3A_42 : memref<4096xf32, #tpu.memory_space<hbm>>)
    %dma_wait3A_46 = arith.constant 1 : i32
    %dma_wait3A_47 = arith.constant 25 : i32
    %dma_wait3A_48 = arith.constant 0 : i32
    %dma_wait3A_49 = tpu.memref_slice %arg7[%dma_wait3A_46, %dma_wait3A_48] : memref<2x4096xf32, #tpu.memory_space<vmem>> -> memref<1x4096xf32, #tpu.memory_space<vmem>>
    %dma_wait3A_50 = tpu.memref_squeeze %dma_wait3A_49 : memref<1x4096xf32, #tpu.memory_space<vmem>> -> memref<4096xf32, #tpu.memory_space<vmem>>
    %dma_wait3A_51 = arith.constant 0 : i32
    %dma_wait3A_52 = tpu.memref_slice %arg4[%dma_wait3A_47, %add3A, %dma_wait3A_51] : memref<26x32x4096xf32, #tpu.memory_space<hbm>> -> memref<1x1x4096xf32, #tpu.memory_space<hbm>>
    %dma_wait3A_53 = tpu.memref_squeeze %dma_wait3A_52 : memref<1x1x4096xf32, #tpu.memory_space<hbm>> -> memref<4096xf32, #tpu.memory_space<hbm>>
    %dma_wait3A_54 = arith.constant 0 : i32
    %dma_wait3A_55 = tpu.memref_slice %arg4[%dma_wait3A_47, %add3A, %dma_wait3A_54] : memref<26x32x4096xf32, #tpu.memory_space<hbm>> -> memref<1x1x4096xf32, #tpu.memory_space<hbm>>
    %dma_wait3A_56 = tpu.memref_squeeze %dma_wait3A_55 : memref<1x1x4096xf32, #tpu.memory_space<hbm>> -> memref<4096xf32, #tpu.memory_space<hbm>>
    %dma_wait3A_57 = arith.constant 0 : i32
    %dma_wait3A_58 = tpu.memref_slice %arg7[%dma_wait3A_46, %dma_wait3A_57] : memref<2x4096xf32, #tpu.memory_space<vmem>> -> memref<1x4096xf32, #tpu.memory_space<vmem>>
    %dma_wait3A_59 = tpu.memref_squeeze %dma_wait3A_58 : memref<1x4096xf32, #tpu.memory_space<vmem>> -> memref<4096xf32, #tpu.memory_space<vmem>>
    tpu.wait_dma2 semaphore(%arg12 : memref<!tpu.dma_semaphore, #tpu.memory_space<semaphore_mem>>) src(%dma_wait3A_59 : memref<4096xf32, #tpu.memory_space<vmem>>) dst(%dma_wait3A_56 : memref<4096xf32, #tpu.memory_space<hbm>>)
    return
  }
}

</mosaic_0001>

<sc_bundles>
// kernel: kernel.3.cloned.1.call-start
scs
__scs_entry_jumppad:
0x0: {  	(pc) =	sbr.rel $0x88, $3  }
0x1: {  	(tag) =	ssettag $0x0;
	lr =	simm.s32 $0x1  }
0x2: {  	[smem:$0x3F9F] =	sst lr;
	_ =	strace $0xD0000000  }
0x3: {  	_ = 	snop  }
0x4: {  	_ = 	snop  }
0x5: {  	_ = 	snop  }
0x6: {  	_ = 	snop  }
0x7: {  	_ = 	snop  }
__scs_overlays_trampoline_lowered:
0x8: {  	[smem:$0x3FAE] =	sst s0  }
0x9: {  	[smem:$0x3FAF] =	sst s1  }
0xa: {  	[smem:$0x3FB0] =	sst s2  }
0xb: {  	[smem:$0x3FB1] =	sst s3  }
0xc: {  	[smem:$0x3FB2] =	sst s4  }
0xd: {  	[smem:$0x3FB3] =	sst s5  }
0xe: {  	[smem:$0x3FB4] =	sst s6  }
0xf: {  	[smem:$0x3FB5] =	sst s7  }
0x10: {  	[smem:$0x3FB6] =	sst s8  }
0x11: {  	[smem:$0x3FB7] =	sst s9;
	s0 =	simm.s32 @!p0 $0x0  }
0x12: {  	s1 =	sld [smem:$0x3F9D];
	s0 =	simm.s32 @p0 $0x1  }
0x13: {  	[smem:$0x3FB8] =	sst s0;
	s0 =	simm.s32 @!p1 $0x0  }
0x14: {  	s2 =	sld [smem:$0x3F9C];
	s0 =	simm.s32 @p1 $0x1  }
0x15: {  	[smem:$0x3FB9] =	sst s0;
	s0 =	simm.s32 @!p2 $0x0  }
0x16: {  	s3 =	sld [smem:$0x3FDB];
	s0 =	simm.s32 @p2 $0x1  }
0x17: {  	s4 =	simm.s32 $0x1BF5;
	[smem:$0x3FBB] =	sst s0  }
0x18: {  	s0 =	sld [smem:$0x3F9E];
	_ =	swait.ge [sflag:s4], $0x0  }
0x19: {  	s7 =	sld [smem:$0x3F9F]  }
0x1a: {  	s8 =	sadd.s32 $0xFFFFE003, lr  }
0x1b: {  	s9 =	sadd.s32 $0xFFFFFEF7, lr;
	s5 =	simm.s32 $0xFFFFFFFF;
	p2 =	slt.u32 s8, $0xFFFFF086  }
0x1c: {  	p1 =	slt.u32 s9, $0xF7A;
	s5 =	simm.s32 @!p2 $0x0  }
0x1d: {  	s5 =	simm.s32 @p1 $0x1;
	p0 =	seq.s32 s7, s2  }
0x1e: {  	s7 =	smul.u32 @!p0 $0xF7A, s2;
	p2 =	seq.s32 @!p0 s5, $0x0  }
0x1f: {  	s9 =	smul.u32 $0xF7A, s1;
	s8 =	simm.s32 @!p0 $0x1BF5;
	p2 =	por !p2, p0  }
0x20: {  	[sflag:s8] =	ssyncset.s32 @!p0 $0xFFFFF086;
	s6 =	sadd.s32 @!p0 s3, s7;
	s7 =	simm.s32 @!p0 $0x108  }
0x21: {  	s3 =	sadd.s32 s3, s9;
	s6 =	sadd.s32 @!p0 $0x88, s6;
	s7 =	simm.s32 @p2 $0x1082  }
0x22: {  	[simem:s7], [sflag:s8] =	dma.local @!p0 [hbm:s6], $0xF7A  }
0x23: {  	s9 =	sor.u32 $0xD0000000, s2;
	s6 =	simm.s32 $0x108;
	_ =	swait.ge @!p0 [sflag:s8], $0x0  }
0x24: {  	s3 =	sadd.s32 $0x88, s3;
	s6 =	simm.s32 @!p1 $0x1082;
	[sflag:s4] =	ssyncset.s32 $0xFFFFF086  }
0x25: {  	[simem:s6], [sflag:s4] =	dma.local [hbm:s3], $0xF7A  }
0x26: {  	[smem:$0x3F9F] =	sst s1;
	(tag) =	ssettag s2;
	_ =	strace s9  }
0x27: {  	s1 =	sld [smem:$0x3FAF]  }
0x28: {  	s2 =	sld [smem:$0x3FB0]  }
0x29: {  	s4 =	sld [smem:$0x3FB2]  }
0x2a: {  	p0 =	seq.s32 s5, $0x0;
	s5 =	sld [smem:$0x3FB3]  }
0x2b: {  	s6 =	sld [smem:$0x3FB4]  }
0x2c: {  	s7 =	sld [smem:$0x3FB5]  }
0x2d: {  	s3 =	simm.s32 $0x108;
	s8 =	sld [smem:$0x3FB6]  }
0x2e: {  	s3 =	simm.s32 @!p0 $0x1082;
	s9 =	sld [smem:$0x3FB7]  }
0x2f: {  	lr =	sadd.s32 s0, s3;
	s0 =	sld [smem:$0x3FAE]  }
0x30: {  	s3 =	sld [smem:$0x3FB1]  }
0x31: {  	[smem:$0x3FBA] =	sst s10  }
0x32: {  	s10 =	sld [smem:$0x3FB8];
	_ =	sdelay $0x3  }
0x33: {  	p0 =	seq.s32 s10, $0x1;
	s10 =	sld [smem:$0x3FBA];
	_ =	sdelay $0x3  }
0x34: {  	[smem:$0x3FBA] =	sst s10  }
0x35: {  	s10 =	sld [smem:$0x3FB9];
	_ =	sdelay $0x3  }
0x36: {  	p1 =	seq.s32 s10, $0x1;
	s10 =	sld [smem:$0x3FBA];
	_ =	sdelay $0x3  }
0x37: {  	[smem:$0x3FBA] =	sst s10  }
0x38: {  	s10 =	sld [smem:$0x3FBB]  }
0x39: {  	_ = 	snop;
	(pc) =	sbr.ind lr, $3  }
0x3a: {  	_ = 	snop  }
0x3b: {  	_ = 	snop  }
0x3c: {  	p2 =	seq.s32 s10, $0x1;
	s10 =	sld [smem:$0x3FBA]  }
0x3d: {  	_ =	shalt  }
0x3e: {  	_ =	shalt  }
0x3f: {  	_ =	shalt  }
0x40: {  	_ =	shalt  }
0x41: {  	_ =	shalt  }
0x42: {  	_ =	shalt  }
0x43: {  	_ =	shalt  }
0x44: {  	_ =	shalt  }
0x45: {  	_ =	shalt  }
0x46: {  	_ =	shalt  }
0x47: {  	_ =	shalt  }
0x48: {  	_ =	shalt  }
0x49: {  	_ =	shalt  }
0x4a: {  	_ =	shalt  }
0x4b: {  	_ =	shalt  }
0x4c: {  	_ =	shalt  }
0x4d: {  	_ =	shalt  }
0x4e: {  	_ =	shalt  }
0x4f: {  	_ =	shalt  }
0x50: {  	_ =	shalt  }
0x51: {  	_ =	shalt  }
0x52: {  	_ =	shalt  }
0x53: {  	_ =	shalt  }
0x54: {  	_ =	shalt  }
0x55: {  	_ =	shalt  }
0x56: {  	_ =	shalt  }
0x57: {  	_ =	shalt  }
0x58: {  	_ =	shalt  }
0x59: {  	_ =	shalt  }
0x5a: {  	_ =	shalt  }
0x5b: {  	_ =	shalt  }
0x5c: {  	_ =	shalt  }
0x5d: {  	_ =	shalt  }
0x5e: {  	_ =	shalt  }
0x5f: {  	_ =	shalt  }
0x60: {  	_ =	shalt  }
0x61: {  	_ =	shalt  }
0x62: {  	_ =	shalt  }
0x63: {  	_ =	shalt  }
0x64: {  	_ =	shalt  }
0x65: {  	_ =	shalt  }
0x66: {  	_ =	shalt  }
0x67: {  	_ =	shalt  }
0x68: {  	_ =	shalt  }
0x69: {  	_ =	shalt  }
0x6a: {  	_ =	shalt  }
0x6b: {  	_ =	shalt  }
0x6c: {  	_ =	shalt  }
0x6d: {  	_ =	shalt  }
0x6e: {  	_ =	shalt  }
0x6f: {  	_ =	shalt  }
0x70: {  	_ =	shalt  }
0x71: {  	_ =	shalt  }
0x72: {  	_ =	shalt  }
0x73: {  	_ =	shalt  }
0x74: {  	_ =	shalt  }
0x75: {  	_ =	shalt  }
0x76: {  	_ =	shalt  }
0x77: {  	_ =	shalt  }
0x78: {  	_ =	shalt  }
0x79: {  	_ =	shalt  }
0x7a: {  	_ =	shalt  }
0x7b: {  	_ =	shalt  }
0x7c: {  	_ =	shalt  }
0x7d: {  	_ =	shalt  }
0x7e: {  	_ =	shalt  }
0x7f: {  	_ =	shalt  }
0x80: {  	_ =	shalt  }
0x81: {  	_ =	shalt  }
0x82: {  	_ =	shalt  }
0x83: {  	_ =	shalt  }
0x84: {  	_ =	shalt  }
0x85: {  	_ =	shalt  }
0x86: {  	_ =	shalt  }
0x87: {  	_ =	shalt  }
.Lfunc_end0:
.L_simem_size_0:
called_computation_lowered:
.L_overlay_start_0:
0x88: {  	s2 =	sld [smem:$0x3FD9]  }
0x89: {  	s3 =	sld [smem:$0x3FFE];
	_ =	sdelay $0x1  }
0x8a: {  	s1 =	srdreg.scid  }
0x8b: {  	s0 =	sand.u32 $0x1, s1  }
0x8c: {  	s17 =	sshll.u32 s0, $0xA;
	s2 =	sadd.s32 s3, s2  }
0x8d: {  	s2 =	sadd.s32 s2, s17  }
0x8e: {  	[smem:$0x3FC6] =	sst s2  }
0x8f: {  	_ = 	snop  }
0x90: {  	s2 =	sld [smem:$0x3FD0];
	(tm) =	ssettm $0x1  }
0x91: {  	s18 =	sld [smem:$0x3FFB];
	_ =	sdelay $0x3  }
0x92: {  	_ =	strace s18  }
0x93: {  	s3 =	sld [smem:$0x3FFC];
	_ =	sdelay $0x3  }
0x94: {  	_ =	strace s3  }
0x95: {  	s3 =	sld [smem:$0x3FFD];
	_ =	sdelay $0x3  }
0x96: {  	_ =	strace s3  }
0x97: {  	_ =	strace $0x8FFFFFFF  }
0x98: {  	s19 =	sld [smem:$0x3FDB];
	_ =	sdelay $0x1  }
0x99: {  	s4 =	simm.s32 $_scs_section_size  }
0x9a: {  	s5 =	simm.s32 $_size__tile_overlayer_lowered;
	s6 =	simm.s32 $_tile_overlayer_lowered  }
0x9b: {  	s22 =	simm.s32 $0x1BFF;
	s21 =	sshll.u32 s6, $0x1;
	s3 =	sadd.s32 s4, s19  }
0x9c: {  	s7 =	simm.s32 $0x0;
	s20 =	sshll.u32 s5, $0x1;
	s5 =	sadd.s32 s21, s3  }
0x9d: {  	[timem:s7], [sflag:s22] =	dma.local [hbm:s5], s20  }
0x9e: {  	_ =	swait.ge [sflag:s22], s20  }
0x9f: {  	s4 =	ssub.s32 $0x0, s20;
	[sflag:s22] =	ssyncset.done $0x0  }
0xa0: {  	[sflag:s22] =	ssyncadd.s32 s4;
	_ =	sdelay $0x1  }
0xa1: {  	s23 =	simm.s32 $0x1B8B  }
0xa2: {  	_ =	swait.ge [sflag:s23], $0x1  }
0xa3: {  	[sflag:s23] =	ssyncset.done $0x0  }
0xa4: {  	s25 =	simm.s32 $0x1B8E;
	s24 =	sld [smem:$0x3FFE];
	[sflag:s23] =	ssyncadd.s32 $0xFFFFFFFF  }
0xa5: {  	s26 =	simm.s32 $execute0_lowered;
	[smem:$0x3FD2] =	sst s25  }
0xa6: {  	s5 =	sshll.u32 s26, $0x1;
	_ =	strace $0x80000046;
	[dreg:$0x1] =	wrdreg $0xFFFFFFFF  }
0xa7: {  	s28 =	simm.s32 $_size_execute0_lowered;
	s3 =	sadd.s32 s3, s5;
	[dreg:$0x0] =	wrdreg $0x0  }
0xa8: {  	s5 =	sshll.u32 s28, $0x1;
	[dreg:$0x2] =	wrdreg s3  }
0xa9: {  	[dreg:$0x3] =	wrdreg s5  }
0xaa: {  	[dreg:$0x4] =	wrdreg $0xC0  }
0xab: {  	_ =	task [dreg:s7], $0x5FFFF  }
0xac: {  	[dreg:$0x1] =	wrdreg $0xFFFFFFFF  }
0xad: {  	[dreg:$0x0] =	wrdreg $0x60  }
0xae: {  	[dreg:$0x2] =	wrdreg s24  }
0xaf: {  	[dreg:$0x3] =	wrdreg s2  }
0xb0: {  	[dreg:$0x4] =	wrdreg $0x9  }
0xb1: {  	_ =	task.clear_ibuf [dreg:s7], $0x5FFFF;
	_ =	strace $0x90000046  }
0xb2: {  	s29 =	simm.s32 $0x9;
	_ =	strace $0x80000048  }
0xb3: {  	_ =	swait.ge [sflag:s29], $0x1  }
0xb4: {  	[sflag:s29] =	ssyncadd.s32 $0xFFFFFFFF  }
0xb5: {  	_ =	strace $0x90000048  }
0xb6: {  	_ =	sfence  }
0xb7: {  	s30 =	sld [smem:$0x0];
	_ =	sdelay $0x2  }
0xb8: {  	s31 =	sshll.u32 s1, $0xD;
	s1 =	sshrl.u32 s1, $0x2  }
0xb9: {  	s3 =	sand.u32 $0x4000, s31;
	s1 =	sadd.s32 s1, s30  }
0xba: {  	s0 =	sor.u32 s3, s0;
	s1 =	sshll.u32 s1, $0x11  }
0xbb: {  	s0 =	sor.u32 s1, s0  }
0xbc: {  	s0 =	sadd.s32 $0x8F2B, s0  }
0xbd: {  	[sflag:s0] =	ssyncadd.remote.s32 $0x1  }
0xbe: {  	_ =	sfence.sel $0xFFFF  }
0xbf: {  	[dreg:$0x0] =	wrdreg $0xFFFFFFFF;
	(pc) =	sbr.abs _section_cstart, $3  }
0xc0: {  	[dreg:$0x1] =	wrdreg $0xFFFFFFFF  }
0xc1: {  	_ =	task.clear_ibuf [dreg:s7], $0x2FFFF;
	_ =	strace $0x9FFFFFFF  }
0xc2: {  	(tm) =	ssettm $0x7FFFFFFF  }
0xc3: {  	_ =	shalt  }
tec
execute0_lowered:
.L_overlay_start_1:
0x0: {  	(tag) =	ssettag $0x1  }
0x1: {  	s6 =	rddreg [dreg:$0x0]  }
0x2: {  	s1 =	srdreg.scid;
	s0 =	stileid.u32  }
0x3: {  	s2 =	rddreg [dreg:$0x1];
	s3 =	simm.s32 $0x0;
	s11 =	simm.s32 $0x186A0  }
0x4: {  	s12 =	simm.s32 $0xC350;
	s13 =	simm.s32 $0x3;
	s14 =	simm.s32 $0x196A0  }
0x5: {  	s15 =	simm.s32 $0x1;
	s16 =	simm.s32 $0x2;
	s17 =	simm.s32 $0x1A6A0  }
0x6: {  	s18 =	simm.s32 $0x1B6A0;
	s19 =	simm.s32 $0x4;
	s20 =	simm.s32 $0x5  }
0x7: {  	s4 =	sand.u32 $0x1, s1;
	s5 =	sshll.u32 s0, $0x1;
	s1 =	rddreg [dreg:$0x2]  }
0x8: {  	s21 =	simm.s32 $0x0;
	[smem:$0x7FF] =	sst s3;
	s9 =	sor.u32 s4, s5  }
0x9: {  	s7 =	ssub.s32 $0x2, s4;
	_ =	strace $0x80000047;
	s4 =	smul.u32 $0x186A0, s9  }
0xa: {  	s5 =	sadd.s32 $0x400, s6;
	s6 =	sadd.s32 $0x9EB600, s6;
	s8 =	sshrl.u32 s7, $0x1  }
0xb: {  	s9 =	sshll.u32 s9, $0xC;
	s10 =	ssub.s32 s7, s8;
	s31 =	sshrl.u32 s4, $0x3  }
0xc: {  	s8 =	sadd.s32 $0xC350, s4;
	s10 =	smax.u32 s10, $0x1;
	s7 =	sadd.s32 s5, s31  }
.LBB2_1:
0xd: {  	[tilespmem:s11], [sflag:$0x3] =	stream.linear.gather [hbm4b:s2+s3], $0x1000, $0x38;
	[tilespmem:$0x1C6A0] =	vst v63  }
0xe: {  	s22 =	simm.s32 $0x0  }
0xf: {  	[tilespmem:s3], [sflag:$0x1] =	stream.linear.gather [hbm4b:s7+s3], $0xC350, $0x38;
	[tilespmem:$0x1C6A0] =	vst v63  }
.LBB2_2:
0x10: {  	s23 =	smul.u32 $0x61A800, s22;
	_ =	sdelay $0x1  }
0x11: {  	s23 =	sadd.s32 s23, s8  }
0x12: {  	s23 =	sshrl.u32 s23, $0x3  }
0x13: {  	s23 =	sadd.s32 s5, s23  }
0x14: {  	[tilespmem:s12], [sflag:$0x2] =	stream.linear.gather [hbm4b:s23+s3], $0xC350, $0x38;
	[tilespmem:$0x1C6A0] =	vst v63  }
0x15: {  	s23 =	sshllo.u32 s22, $0x1;
	_ =	swait.ge [sflag:s13], $0x1000  }
0x16: {  	s24 =	sshll.u32 s23, $0x9;
	[sflag:s13] =	ssyncset.done $0x0  }
0x17: {  	p0 =	seq.s32 s22, $0x0;
	s24 =	sadd.s32 s2, s24;
	[sflag:s13] =	ssyncadd.s32 $0xFFFFF000  }
0x18: {  	[tilespmem:s14], [sflag:$0x3] =	stream.linear.gather [hbm4b:s24+s3], $0x1000, $0x38;
	[tilespmem:$0x1C6A0] =	vst v63  }
0x19: {  	s24 =	simm.s32 @!p0 $0x4  }
0x1a: {  	_ =	swait.ge @!p0 [sflag:s24], $0x1000  }
0x1b: {  	[sflag:s24] =	ssyncset.done @!p0 $0x0  }
0x1c: {  	[sflag:s24] =	ssyncadd.s32 @!p0 $0xFFFFF000  }
0x1d: {  	_ =	swait.ge [sflag:s15], $0xC350  }
0x1e: {  	s25 =	simm.s32 $0xFFFFFFF8;
	s26 =	simm.s32 $0x186E0;
	[sflag:s15] =	ssyncset.done $0x0  }
0x1f: {  	s28 =	simm.s32 $0x1A6E0;
	s24 =	sshll.u32 s22, $0x1;
	[sflag:s15] =	ssyncadd.s32 $0xFFFF3CB0  }
.LBB2_3:
0x20: {  	v0 =	vld [tilespmem:s26+$0xFFFFFFC0];
	_ =	sdelay $0x4  }
0x21: {  	vm0 =	vlt.s32 v0, $0xC350;
	_ =	sdelay $0x5  }
0x22: {  	v0 =	vld.idx.msk [tilespmem:v0+s3+$0x0], vm0;
	_ =	sdelay $0x4  }
0x23: {  	[tilespmem:s28+$0xFFFFFFC0] =	vst v0  }
0x24: {  	v0 =	vld [tilespmem:s26+$0xFFFFFFD0];
	_ =	sdelay $0x4  }
0x25: {  	vm9 =	vlt.s32 v0, $0xC350;
	_ =	sdelay $0x5  }
0x26: {  	v0 =	vld.idx.msk [tilespmem:v0+s3+$0x0], vm9;
	_ =	sdelay $0x4  }
0x27: {  	[tilespmem:s28+$0xFFFFFFD0] =	vst v0  }
0x28: {  	v0 =	vld [tilespmem:s26+$0xFFFFFFE0];
	_ =	sdelay $0x4  }
0x29: {  	vm10 =	vlt.s32 v0, $0xC350;
	_ =	sdelay $0x5  }
0x2a: {  	v0 =	vld.idx.msk [tilespmem:v0+s3+$0x0], vm10;
	_ =	sdelay $0x4  }
0x2b: {  	[tilespmem:s28+$0xFFFFFFE0] =	vst v0  }
0x2c: {  	v0 =	vld [tilespmem:s26+$0xFFFFFFF0];
	_ =	sdelay $0x4  }
0x2d: {  	vm11 =	vlt.s32 v0, $0xC350;
	_ =	sdelay $0x5  }
0x2e: {  	v0 =	vld.idx.msk [tilespmem:v0+s3+$0x0], vm11;
	_ =	sdelay $0x4  }
0x2f: {  	[tilespmem:s28+$0xFFFFFFF0] =	vst v0  }
0x30: {  	v0 =	vld [tilespmem:s26+$0x0];
	_ =	sdelay $0x4  }
0x31: {  	vm12 =	vlt.s32 v0, $0xC350;
	_ =	sdelay $0x5  }
0x32: {  	v0 =	vld.idx.msk [tilespmem:v0+s3+$0x0], vm12;
	_ =	sdelay $0x4  }
0x33: {  	[tilespmem:s28+$0x0] =	vst v0  }
0x34: {  	v0 =	vld [tilespmem:s26+$0x10];
	_ =	sdelay $0x4  }
0x35: {  	vm13 =	vlt.s32 v0, $0xC350;
	_ =	sdelay $0x5  }
0x36: {  	v0 =	vld.idx.msk [tilespmem:v0+s3+$0x0], vm13;
	_ =	sdelay $0x4  }
0x37: {  	[tilespmem:s28+$0x10] =	vst v0  }
0x38: {  	v0 =	vld [tilespmem:s26+$0x20];
	_ =	sdelay $0x4  }
0x39: {  	vm14 =	vlt.s32 v0, $0xC350;
	_ =	sdelay $0x5  }
0x3a: {  	v0 =	vld.idx.msk [tilespmem:v0+s3+$0x0], vm14;
	_ =	sdelay $0x4  }
0x3b: {  	[tilespmem:s28+$0x20] =	vst v0  }
0x3c: {  	v0 =	vld [tilespmem:s26+$0x30];
	_ =	sdelay $0x4  }
0x3d: {  	vm15 =	vlt.s32 v0, $0xC350;
	_ =	sdelay $0x4  }
0x3e: {  	s25 =	sadd.s32 $0x8, s25  }
0x3f: {  	p0 =	slt.u32 s25, $0xF8;
	v0 =	vld.idx.msk [tilespmem:v0+s3+$0x0], vm15  }
.Ltmp0:
0x40: {  	_ = 	snop;
	(pc) =	sbr.rel @p0 .LBB2_3-.Ltmp0, $2  }
0x41: {  	_ =	sdelay $0x2  }
0x42: {  	s26 =	sadd.s32 $0x80, s26;
	[tilespmem:s28+$0x30] =	vst v0;
	s28 =	sadd.s32 $0x80, s28  }
0x43: {  	s25 =	smul.u32 $0x30D400, s23;
	_ =	sdelay $0x1  }
0x44: {  	s25 =	sadd.s32 s4, s25  }
0x45: {  	s25 =	sshrl.u32 s25, $0x3  }
0x46: {  	s25 =	sadd.s32 s5, s25  }
0x47: {  	[tilespmem:s3], [sflag:$0x1] =	stream.linear.gather [hbm4b:s25+s3], $0xC350, $0x38;
	[tilespmem:$0x1C6A0] =	vst v63  }
0x48: {  	_ =	swait.ge [sflag:s16], $0xC350  }
0x49: {  	s26 =	simm.s32 $0xFFFFFFF8;
	[sflag:s16] =	ssyncset.done $0x0  }
0x4a: {  	s28 =	simm.s32 $0x186E0;
	s29 =	simm.s32 $0x1A6E0;
	[sflag:s16] =	ssyncadd.s32 $0xFFFF3CB0  }
.LBB2_5:
0x4b: {  	v0 =	vld [tilespmem:s28+$0xFFFFFFC0];
	_ =	sdelay $0x4  }
0x4c: {  	vm0 =	vgt.s32 v0, $0xC34F  }
0x4d: {  	v0 =	vadd.s32 $0xFFFF3CB0, v0;
	_ =	sdelay $0x3  }
0x4e: {  	v1 =	vld [tilespmem:s29+$0xFFFFFFC0]  }
0x4f: {  	v0 =	vld.idx.msk [tilespmem:v0+s12+$0x0], vm0;
	_ =	sdelay $0x4  }
0x50: {  	v0 =	vsel vm0, v0, v1  }
0x51: {  	[tilespmem:s29+$0xFFFFFFC0] =	vst v0  }
0x52: {  	v0 =	vld [tilespmem:s28+$0xFFFFFFD0];
	_ =	sdelay $0x4  }
0x53: {  	vm9 =	vgt.s32 v0, $0xC34F  }
0x54: {  	v0 =	vadd.s32 $0xFFFF3CB0, v0;
	_ =	sdelay $0x3  }
0x55: {  	v57 =	vld [tilespmem:s29+$0xFFFFFFD0]  }
0x56: {  	v0 =	vld.idx.msk [tilespmem:v0+s12+$0x0], vm9;
	_ =	sdelay $0x4  }
0x57: {  	v0 =	vsel vm9, v0, v57  }
0x58: {  	[tilespmem:s29+$0xFFFFFFD0] =	vst v0  }
0x59: {  	v0 =	vld [tilespmem:s28+$0xFFFFFFE0];
	_ =	sdelay $0x4  }
0x5a: {  	vm10 =	vgt.s32 v0, $0xC34F  }
0x5b: {  	v0 =	vadd.s32 $0xFFFF3CB0, v0;
	_ =	sdelay $0x3  }
0x5c: {  	v58 =	vld [tilespmem:s29+$0xFFFFFFE0]  }
0x5d: {  	v0 =	vld.idx.msk [tilespmem:v0+s12+$0x0], vm10;
	_ =	sdelay $0x4  }
0x5e: {  	v0 =	vsel vm10, v0, v58  }
0x5f: {  	[tilespmem:s29+$0xFFFFFFE0] =	vst v0  }
0x60: {  	v0 =	vld [tilespmem:s28+$0xFFFFFFF0];
	_ =	sdelay $0x4  }
0x61: {  	vm11 =	vgt.s32 v0, $0xC34F  }
0x62: {  	v0 =	vadd.s32 $0xFFFF3CB0, v0;
	_ =	sdelay $0x3  }
0x63: {  	v59 =	vld [tilespmem:s29+$0xFFFFFFF0]  }
0x64: {  	v0 =	vld.idx.msk [tilespmem:v0+s12+$0x0], vm11;
	_ =	sdelay $0x4  }
0x65: {  	v0 =	vsel vm11, v0, v59  }
0x66: {  	[tilespmem:s29+$0xFFFFFFF0] =	vst v0  }
0x67: {  	v0 =	vld [tilespmem:s28+$0x0];
	_ =	sdelay $0x4  }
0x68: {  	vm12 =	vgt.s32 v0, $0xC34F  }
0x69: {  	v0 =	vadd.s32 $0xFFFF3CB0, v0;
	_ =	sdelay $0x3  }
0x6a: {  	v60 =	vld [tilespmem:s29+$0x0]  }
0x6b: {  	v0 =	vld.idx.msk [tilespmem:v0+s12+$0x0], vm12;
	_ =	sdelay $0x4  }
0x6c: {  	v0 =	vsel vm12, v0, v60  }
0x6d: {  	[tilespmem:s29+$0x0] =	vst v0  }
0x6e: {  	v0 =	vld [tilespmem:s28+$0x10];
	_ =	sdelay $0x4  }
0x6f: {  	vm13 =	vgt.s32 v0, $0xC34F  }
0x70: {  	v0 =	vadd.s32 $0xFFFF3CB0, v0;
	_ =	sdelay $0x3  }
0x71: {  	v61 =	vld [tilespmem:s29+$0x10]  }
0x72: {  	v0 =	vld.idx.msk [tilespmem:v0+s12+$0x0], vm13;
	_ =	sdelay $0x4  }
0x73: {  	v0 =	vsel vm13, v0, v61  }
0x74: {  	[tilespmem:s29+$0x10] =	vst v0  }
0x75: {  	v0 =	vld [tilespmem:s28+$0x20];
	_ =	sdelay $0x4  }
0x76: {  	vm14 =	vgt.s32 v0, $0xC34F  }
0x77: {  	v0 =	vadd.s32 $0xFFFF3CB0, v0;
	_ =	sdelay $0x3  }
0x78: {  	v62 =	vld [tilespmem:s29+$0x20]  }
0x79: {  	v0 =	vld.idx.msk [tilespmem:v0+s12+$0x0], vm14;
	_ =	sdelay $0x4  }
0x7a: {  	v0 =	vsel vm14, v0, v62  }
0x7b: {  	[tilespmem:s29+$0x20] =	vst v0  }
0x7c: {  	v0 =	vld [tilespmem:s28+$0x30];
	_ =	sdelay $0x4  }
0x7d: {  	vm15 =	vgt.s32 v0, $0xC34F  }
0x7e: {  	v0 =	vadd.s32 $0xFFFF3CB0, v0;
	_ =	sdelay $0x3  }
0x7f: {  	v63 =	vld [tilespmem:s29+$0x30]  }
0x80: {  	s26 =	sadd.s32 $0x8, s26;
	v0 =	vld.idx.msk [tilespmem:v0+s12+$0x0], vm15  }
0x81: {  	p0 =	slt.u32 s26, $0xF8  }
.Ltmp1:
0x82: {  	_ = 	snop;
	(pc) =	sbr.rel @p0 .LBB2_5-.Ltmp1, $3  }
0x83: {  	_ =	sdelay $0x1  }
0x84: {  	v0 =	vsel vm15, v0, v63  }
0x85: {  	s28 =	sadd.s32 $0x80, s28;
	[tilespmem:s29+$0x30] =	vst v0;
	s29 =	sadd.s32 $0x80, s29  }
0x86: {  	s26 =	sshll.u32 s22, $0x12  }
0x87: {  	s26 =	sor.u32 s9, s26  }
0x88: {  	s26 =	sshrl.u32 s26, $0x3  }
0x89: {  	s26 =	sadd.s32 s6, s26  }
0x8a: {  	[hbm4b:s26+s3] =	stream.linear.scatter [tilespmem:s17], [sflag:$0x4], $0x1000, $0x38;
	[tilespmem:$0x1C6A0] =	vst v63  }
0x8b: {  	s25 =	sadd.s32 $0x186A, s25;
	s24 =	sadd.s32 $0x2, s24;
	p0 =	seq.s32 s22, $0xC  }
0x8c: {  	[tilespmem:s12], [sflag:$0x2] =	stream.linear.gather [hbm4b:s25+s3], $0xC350, $0x38;
	[tilespmem:$0x1C6A0] =	vst v63  }
0x8d: {  	p1 =	seq.s32 @!p0 s22, $0x0;
	s28 =	simm.s32 @!p0 $0x186A0;
	_ =	swait.ge [sflag:s13], $0x1000  }
0x8e: {  	p1 =	por p0, !p1;
	s25 =	sshll.u32 @!p0 s24, $0x9;
	[sflag:s13] =	ssyncset.done $0x0  }
0x8f: {  	s26 =	simm.s32 @!p0 $0x0;
	s25 =	sadd.s32 @!p0 s2, s25;
	[sflag:s13] =	ssyncadd.s32 $0xFFFFF000  }
0x90: {  	[tilespmem:s28], [sflag:$0x3] =	stream.linear.gather @!p0 [hbm4b:s25+s26], $0x1000, $0x38;
	[tilespmem:$0x1C6A0] =	vst v63  }
0x91: {  	_ =	swait.ge @p1 [sflag:s20], $0x1000  }
0x92: {  	[sflag:s20] =	ssyncset.done @p1 $0x0  }
0x93: {  	[sflag:s20] =	ssyncadd.s32 @p1 $0xFFFFF000  }
0x94: {  	_ =	swait.ge [sflag:s15], $0xC350  }
0x95: {  	s25 =	simm.s32 $0xFFFFFFF8;
	[sflag:s15] =	ssyncset.done $0x0  }
0x96: {  	s26 =	simm.s32 $0x1B710;
	s28 =	simm.s32 $0x19710;
	[sflag:s15] =	ssyncadd.s32 $0xFFFF3CB0  }
.LBB2_7:
0x97: {  	v0 =	vld [tilespmem:s28+$0xFFFFFF90];
	_ =	sdelay $0x4  }
0x98: {  	vm0 =	vlt.s32 v0, $0xC350;
	_ =	sdelay $0x5  }
0x99: {  	v0 =	vld.idx.msk [tilespmem:v0+s3+$0x0], vm0;
	_ =	sdelay $0x4  }
0x9a: {  	[tilespmem:s26+$0xFFFFFF90] =	vst v0  }
0x9b: {  	v0 =	vld [tilespmem:s28+$0xFFFFFFA0];
	_ =	sdelay $0x4  }
0x9c: {  	vm9 =	vlt.s32 v0, $0xC350;
	_ =	sdelay $0x5  }
0x9d: {  	v0 =	vld.idx.msk [tilespmem:v0+s3+$0x0], vm9;
	_ =	sdelay $0x4  }
0x9e: {  	[tilespmem:s26+$0xFFFFFFA0] =	vst v0  }
0x9f: {  	v0 =	vld [tilespmem:s28+$0xFFFFFFB0];
	_ =	sdelay $0x4  }
0xa0: {  	vm10 =	vlt.s32 v0, $0xC350;
	_ =	sdelay $0x5  }
0xa1: {  	v0 =	vld.idx.msk [tilespmem:v0+s3+$0x0], vm10;
	_ =	sdelay $0x4  }
0xa2: {  	[tilespmem:s26+$0xFFFFFFB0] =	vst v0  }
0xa3: {  	v0 =	vld [tilespmem:s28+$0xFFFFFFC0];
	_ =	sdelay $0x4  }
0xa4: {  	vm11 =	vlt.s32 v0, $0xC350;
	_ =	sdelay $0x5  }
0xa5: {  	v0 =	vld.idx.msk [tilespmem:v0+s3+$0x0], vm11;
	_ =	sdelay $0x4  }
0xa6: {  	[tilespmem:s26+$0xFFFFFFC0] =	vst v0  }
0xa7: {  	v0 =	vld [tilespmem:s28+$0xFFFFFFD0];
	_ =	sdelay $0x4  }
0xa8: {  	vm12 =	vlt.s32 v0, $0xC350;
	_ =	sdelay $0x5  }
0xa9: {  	v0 =	vld.idx.msk [tilespmem:v0+s3+$0x0], vm12;
	_ =	sdelay $0x4  }
0xaa: {  	[tilespmem:s26+$0xFFFFFFD0] =	vst v0  }
0xab: {  	v0 =	vld [tilespmem:s28+$0xFFFFFFE0];
	_ =	sdelay $0x4  }
0xac: {  	vm13 =	vlt.s32 v0, $0xC350;
	_ =	sdelay $0x5  }
0xad: {  	v0 =	vld.idx.msk [tilespmem:v0+s3+$0x0], vm13;
	_ =	sdelay $0x4  }
0xae: {  	[tilespmem:s26+$0xFFFFFFE0] =	vst v0  }
0xaf: {  	v0 =	vld [tilespmem:s28+$0xFFFFFFF0];
	_ =	sdelay $0x4  }
0xb0: {  	vm14 =	vlt.s32 v0, $0xC350;
	_ =	sdelay $0x5  }
0xb1: {  	v0 =	vld.idx.msk [tilespmem:v0+s3+$0x0], vm14;
	_ =	sdelay $0x4  }
0xb2: {  	[tilespmem:s26+$0xFFFFFFF0] =	vst v0  }
0xb3: {  	v0 =	vld [tilespmem:s28+$0x0];
	_ =	sdelay $0x4  }
0xb4: {  	vm15 =	vlt.s32 v0, $0xC350;
	_ =	sdelay $0x4  }
0xb5: {  	s25 =	sadd.s32 $0x8, s25  }
0xb6: {  	p1 =	slt.u32 s25, $0xF8;
	v0 =	vld.idx.msk [tilespmem:v0+s3+$0x0], vm15  }
.Ltmp2:
0xb7: {  	_ = 	snop;
	(pc) =	sbr.rel @p1 .LBB2_7-.Ltmp2, $2  }
0xb8: {  	_ =	sdelay $0x2  }
0xb9: {  	s28 =	sadd.s32 $0x80, s28;
	[tilespmem:s26+$0x0] =	vst v0;
	s26 =	sadd.s32 $0x80, s26  }
0xba: {  	s24 =	smul.u32 @!p0 $0x30D400, s24;
	_ =	sdelay $0x1  }
0xbb: {  	s24 =	sadd.s32 @!p0 s4, s24  }
0xbc: {  	s24 =	sshrl.u32 @!p0 s24, $0x3  }
0xbd: {  	s25 =	simm.s32 @!p0 $0x0;
	s24 =	sadd.s32 @!p0 s5, s24  }
0xbe: {  	[tilespmem:s25], [sflag:$0x1] =	stream.linear.gather @!p0 [hbm4b:s24+s25], $0xC350, $0x38;
	[tilespmem:$0x1C6A0] =	vst v63  }
0xbf: {  	_ =	swait.ge [sflag:s16], $0xC350  }
0xc0: {  	s26 =	simm.s32 $0x19710;
	[sflag:s16] =	ssyncset.done $0x0  }
0xc1: {  	s24 =	simm.s32 $0xFFFFFFF8;
	s25 =	simm.s32 $0x1B710;
	[sflag:s16] =	ssyncadd.s32 $0xFFFF3CB0  }
.LBB2_9:
0xc2: {  	v0 =	vld [tilespmem:s26+$0xFFFFFF90];
	_ =	sdelay $0x4  }
0xc3: {  	vm0 =	vgt.s32 v0, $0xC34F  }
0xc4: {  	v0 =	vadd.s32 $0xFFFF3CB0, v0;
	_ =	sdelay $0x3  }
0xc5: {  	v1 =	vld [tilespmem:s25+$0xFFFFFF90]  }
0xc6: {  	v0 =	vld.idx.msk [tilespmem:v0+s12+$0x0], vm0;
	_ =	sdelay $0x4  }
0xc7: {  	v0 =	vsel vm0, v0, v1  }
0xc8: {  	[tilespmem:s25+$0xFFFFFF90] =	vst v0  }
0xc9: {  	v0 =	vld [tilespmem:s26+$0xFFFFFFA0];
	_ =	sdelay $0x4  }
0xca: {  	vm9 =	vgt.s32 v0, $0xC34F  }
0xcb: {  	v0 =	vadd.s32 $0xFFFF3CB0, v0;
	_ =	sdelay $0x3  }
0xcc: {  	v57 =	vld [tilespmem:s25+$0xFFFFFFA0]  }
0xcd: {  	v0 =	vld.idx.msk [tilespmem:v0+s12+$0x0], vm9;
	_ =	sdelay $0x4  }
0xce: {  	v0 =	vsel vm9, v0, v57  }
0xcf: {  	[tilespmem:s25+$0xFFFFFFA0] =	vst v0  }
0xd0: {  	v0 =	vld [tilespmem:s26+$0xFFFFFFB0];
	_ =	sdelay $0x4  }
0xd1: {  	vm10 =	vgt.s32 v0, $0xC34F  }
0xd2: {  	v0 =	vadd.s32 $0xFFFF3CB0, v0;
	_ =	sdelay $0x3  }
0xd3: {  	v58 =	vld [tilespmem:s25+$0xFFFFFFB0]  }
0xd4: {  	v0 =	vld.idx.msk [tilespmem:v0+s12+$0x0], vm10;
	_ =	sdelay $0x4  }
0xd5: {  	v0 =	vsel vm10, v0, v58  }
0xd6: {  	[tilespmem:s25+$0xFFFFFFB0] =	vst v0  }
0xd7: {  	v0 =	vld [tilespmem:s26+$0xFFFFFFC0];
	_ =	sdelay $0x4  }
0xd8: {  	vm11 =	vgt.s32 v0, $0xC34F  }
0xd9: {  	v0 =	vadd.s32 $0xFFFF3CB0, v0;
	_ =	sdelay $0x3  }
0xda: {  	v59 =	vld [tilespmem:s25+$0xFFFFFFC0]  }
0xdb: {  	v0 =	vld.idx.msk [tilespmem:v0+s12+$0x0], vm11;
	_ =	sdelay $0x4  }
0xdc: {  	v0 =	vsel vm11, v0, v59  }
0xdd: {  	[tilespmem:s25+$0xFFFFFFC0] =	vst v0  }
0xde: {  	v0 =	vld [tilespmem:s26+$0xFFFFFFD0];
	_ =	sdelay $0x4  }
0xdf: {  	vm12 =	vgt.s32 v0, $0xC34F  }
0xe0: {  	v0 =	vadd.s32 $0xFFFF3CB0, v0;
	_ =	sdelay $0x3  }
0xe1: {  	v60 =	vld [tilespmem:s25+$0xFFFFFFD0]  }
0xe2: {  	v0 =	vld.idx.msk [tilespmem:v0+s12+$0x0], vm12;
	_ =	sdelay $0x4  }
0xe3: {  	v0 =	vsel vm12, v0, v60  }
0xe4: {  	[tilespmem:s25+$0xFFFFFFD0] =	vst v0  }
0xe5: {  	v0 =	vld [tilespmem:s26+$0xFFFFFFE0];
	_ =	sdelay $0x4  }
0xe6: {  	vm13 =	vgt.s32 v0, $0xC34F  }
0xe7: {  	v0 =	vadd.s32 $0xFFFF3CB0, v0;
	_ =	sdelay $0x3  }
0xe8: {  	v61 =	vld [tilespmem:s25+$0xFFFFFFE0]  }
0xe9: {  	v0 =	vld.idx.msk [tilespmem:v0+s12+$0x0], vm13;
	_ =	sdelay $0x4  }
0xea: {  	v0 =	vsel vm13, v0, v61  }
0xeb: {  	[tilespmem:s25+$0xFFFFFFE0] =	vst v0  }
0xec: {  	v0 =	vld [tilespmem:s26+$0xFFFFFFF0];
	_ =	sdelay $0x4  }
0xed: {  	vm14 =	vgt.s32 v0, $0xC34F  }
0xee: {  	v0 =	vadd.s32 $0xFFFF3CB0, v0;
	_ =	sdelay $0x3  }
0xef: {  	v62 =	vld [tilespmem:s25+$0xFFFFFFF0]  }
0xf0: {  	v0 =	vld.idx.msk [tilespmem:v0+s12+$0x0], vm14;
	_ =	sdelay $0x4  }
0xf1: {  	v0 =	vsel vm14, v0, v62  }
0xf2: {  	[tilespmem:s25+$0xFFFFFFF0] =	vst v0  }
0xf3: {  	v0 =	vld [tilespmem:s26+$0x0];
	_ =	sdelay $0x4  }
0xf4: {  	vm15 =	vgt.s32 v0, $0xC34F  }
0xf5: {  	v0 =	vadd.s32 $0xFFFF3CB0, v0;
	_ =	sdelay $0x3  }
0xf6: {  	v63 =	vld [tilespmem:s25+$0x0]  }
0xf7: {  	s24 =	sadd.s32 $0x8, s24;
	v0 =	vld.idx.msk [tilespmem:v0+s12+$0x0], vm15  }
0xf8: {  	p0 =	slt.u32 s24, $0xF8  }
.Ltmp3:
0xf9: {  	_ = 	snop;
	(pc) =	sbr.rel @p0 .LBB2_9-.Ltmp3, $3  }
0xfa: {  	_ =	sdelay $0x1  }
0xfb: {  	v0 =	vsel vm15, v0, v63  }
0xfc: {  	s26 =	sadd.s32 $0x80, s26;
	[tilespmem:s25+$0x0] =	vst v0;
	s25 =	sadd.s32 $0x80, s25  }
0xfd: {  	s22 =	sadd.s32 $0x1, s22  }
0xfe: {  	p0 =	sne.s32 s22, $0xD  }
.Ltmp4:
0xff: {  	s23 =	sshll.u32 s23, $0x11;
	(pc) =	sbr.rel @p0 .LBB2_2-.Ltmp4, $4  }
0x100: {  	s23 =	sor.u32 s9, s23  }
0x101: {  	s23 =	sshrl.u32 s23, $0x3  }
0x102: {  	s23 =	sadd.s32 s6, s23  }
0x103: {  	[hbm4b:s23+s3] =	stream.linear.scatter [tilespmem:s18], [sflag:$0x5], $0x1000, $0x38;
	[tilespmem:$0x1C6A0] =	vst v63  }
0x104: {  	s21 =	sadd.s32 $0x1, s21  }
0x105: {  	_ =	swait.ge [sflag:s19], $0x1000;
	p0 =	sne.s32 s21, s10  }
.Ltmp5:
0x106: {  	[sflag:s19] =	ssyncset.done $0x0;
	(pc) =	sbr.rel @p0 .LBB2_1-.Ltmp5, $4  }
0x107: {  	[sflag:s19] =	ssyncadd.s32 $0xFFFFF000  }
0x108: {  	_ =	swait.ge [sflag:s20], $0x1000  }
0x109: {  	[sflag:s20] =	ssyncset.done $0x0  }
0x10a: {  	[sflag:s20] =	ssyncadd.s32 $0xFFFFF000  }
0x10b: {  	_ =	sfence.sel $0x180000  }
0x10c: {  	[bflag:$0x0] =	sbarrier.arrive $0xFFFF  }
0x10d: {  	p0 =	sne.s32 s0, $0x0;
	_ =	strace $0x90000047  }
0x10e: {  	s0 =	sadd.s32 @!p0 $0x100000, s1;
	[bflag:$0x2] =	sbarrier.arrive $0xFFFF  }
0x10f: {  	[sflag:s0] =	ssyncadd.tile.s32 @!p0 $0x1;
	_ =	shalt  }
.Lfunc_end2:
_tile_overlayer_lowered:
.L_overlay_start_2:
0x110: {  	(tag) =	ssettag $0x2  }
0x111: {  	s0 =	rddreg [dreg:$0x0];
	s2 =	stileid.u32  }
0x112: {  	s1 =	rddreg [dreg:$0x1];
	p0 =	sne.s32 s2, $0x0  }
0x113: {  	s3 =	rddreg [dreg:$0x2];
	[bflag:$0x3] =	sbarrier.arrive $0xFFFF;
	s2 =	simm.s32 @!p0 $0x1C06  }
0x114: {  	[timem:s3], [sflag:s2] =	dma.local @!p0 [hbm:s0], s1  }
0x115: {  	s0 =	simm.s32 @!p0 $0x6  }
0x116: {  	_ =	swait.ge @!p0 [sflag:s0], s1  }
0x117: {  	s1 =	ssub.s32 @!p0 $0x0, s1;
	[sflag:s0] =	ssyncset.done @!p0 $0x0  }
0x118: {  	[sflag:s0] =	ssyncadd.s32 @!p0 s1  }
0x119: {  	[bflag:$0x3] =	sbarrier.arrive $0xFFFF  }
0x11a: {  	_ =	shalt  }

</sc_bundles>
